<compile_context>
chip_gen: v7x
topology: tpu7x:2x2x1
jax: 0.10.2.dev20260603
libtpu: 0.0.44.dev20260713+nightly
codegen_flags: <defaults>
</compile_context>

<pallas_src>
import functools

import jax
import jax.numpy as jnp
from jax import lax
from jax.experimental import pallas as pl
from jax.experimental.pallas import tpu as pltpu
from jax.experimental.pallas import tpu_sc as plsc

N_NODES = 10000
N_EDGES = 320000
NT = 16
SUB = 128
CH0 = 80
CH1 = 160
BLK = 40
E_PAD = 2 * NT * CH0 * SUB
RD = 640
ACC_ROWS = NT * RD

_MESH = dict(core_axis_name="c", subcore_axis_name="s")


def _pipelined_agg(tab, src_hbm, dst_hbm, chunk0, nblk,
                   src_buf, dst_buf, rows0, rows1, acc, sg0, sg1):
    def blk_it(b, carry):
        base = chunk0 + b * BLK
        pltpu.sync_copy(src_hbm.at[pl.ds(base, BLK)], src_buf)
        pltpu.sync_copy(dst_hbm.at[pl.ds(base, BLK)], dst_buf)
        pltpu.async_copy(tab.at[src_buf.at[0]], rows0, sg0)

        def pair_it(t, carry2):
            j0 = 2 * t
            pltpu.async_copy(tab.at[src_buf.at[j0 + 1]], rows1, sg1)
            pltpu.make_async_copy(tab.at[src_buf.at[j0]], rows0,
                                  sg0).wait()
            pltpu.sync_copy(rows0, acc.at[dst_buf.at[j0]], add=True)

            @pl.when(j0 + 2 < BLK)
            def _():
                pltpu.async_copy(tab.at[src_buf.at[j0 + 2]], rows0, sg0)

            pltpu.make_async_copy(tab.at[src_buf.at[j0 + 1]], rows1,
                                  sg1).wait()
            pltpu.sync_copy(rows1, acc.at[dst_buf.at[j0 + 1]], add=True)
            return carry2
        lax.fori_loop(0, BLK // 2, pair_it, 0)
        return carry
    lax.fori_loop(0, nblk, blk_it, 0)


def _acc_out():
    return jax.ShapeDtypeStruct((ACC_ROWS, 128), jnp.float32)


@functools.cache
def _agg_edge_split():
    scratch = [
        pltpu.VMEM((BLK, SUB), jnp.int32),
        pltpu.VMEM((BLK, SUB), jnp.int32),
        pltpu.VMEM((SUB, 128), jnp.float32),
        pltpu.VMEM((SUB, 128), jnp.float32),
        pltpu.VMEM_SHARED((ACC_ROWS, 128), jnp.float32),
        pltpu.SemaphoreType.DMA,
        pltpu.SemaphoreType.DMA,
    ]

    def body(tab, src_hbm, dst_hbm, zrow_hbm, acc_a_hbm, acc_b_hbm,
             src_buf, dst_buf, rows0, rows1, acc, sg0, sg1):
        c = lax.axis_index("c")
        s = lax.axis_index("s")
        w = c * NT + s

        pltpu.sync_copy(zrow_hbm, acc.at[pl.ds(s * RD, RD)])
        plsc.subcore_barrier()

        _pipelined_agg(tab, src_hbm, dst_hbm, w * CH0, CH0 // BLK,
                       src_buf, dst_buf, rows0, rows1, acc, sg0, sg1)

        plsc.subcore_barrier()

        @pl.when(c == 0)
        def _():
            pltpu.sync_copy(acc.at[pl.ds(s * RD, RD)],
                            acc_a_hbm.at[pl.ds(s * RD, RD)])

        @pl.when(c == 1)
        def _():
            pltpu.sync_copy(acc.at[pl.ds(s * RD, RD)],
                            acc_b_hbm.at[pl.ds(s * RD, RD)])

    return pl.kernel(body, mesh=plsc.VectorSubcoreMesh(**_MESH),
                     out_type=[_acc_out(), _acc_out()],
                     scratch_types=scratch)


@functools.cache
def _count_edges():
    scratch = [
        pltpu.VMEM((BLK, SUB), jnp.int32),
        pltpu.VMEM((SUB, 128), jnp.float32),
        pltpu.VMEM_SHARED((ACC_ROWS, 128), jnp.float32),
        pltpu.SemaphoreType.DMA,
        pltpu.SemaphoreType.DMA,
    ]

    def body(dst_hbm, zrow_hbm, ones_hbm, cnt_a_hbm, cnt_b_hbm,
             dst_buf, ones_buf, acc, ss0, ss1):
        c = lax.axis_index("c")
        s = lax.axis_index("s")
        w = c * NT + s

        pltpu.sync_copy(zrow_hbm, acc.at[pl.ds(s * RD, RD)])
        pltpu.sync_copy(ones_hbm, ones_buf)
        plsc.subcore_barrier()

        def drain(sem):
            pltpu.make_async_copy(ones_buf, acc.at[dst_buf.at[0]],
                                  sem).wait()

        def blk_it(b, carry):
            base = w * CH0 + b * BLK
            pltpu.sync_copy(dst_hbm.at[pl.ds(base, BLK)], dst_buf)

            def it(t, carry2):
                j0 = 2 * t
                pltpu.async_copy(ones_buf, acc.at[dst_buf.at[j0]], ss0,
                                 add=True)
                pltpu.async_copy(ones_buf, acc.at[dst_buf.at[j0 + 1]], ss1,
                                 add=True)

                @pl.when(j0 + 2 < BLK)
                def _():
                    drain(ss0)
                    drain(ss1)
                return carry2
            lax.fori_loop(0, BLK // 2, it, 0)
            drain(ss0)
            drain(ss1)
            return carry
        lax.fori_loop(0, CH0 // BLK, blk_it, 0)

        plsc.subcore_barrier()

        @pl.when(c == 0)
        def _():
            pltpu.sync_copy(acc.at[pl.ds(s * RD, RD)],
                            cnt_a_hbm.at[pl.ds(s * RD, RD)])

        @pl.when(c == 1)
        def _():
            pltpu.sync_copy(acc.at[pl.ds(s * RD, RD)],
                            cnt_b_hbm.at[pl.ds(s * RD, RD)])

    return pl.kernel(body, mesh=plsc.VectorSubcoreMesh(**_MESH),
                     out_type=[_acc_out(), _acc_out()],
                     scratch_types=scratch)


@functools.cache
def _agg_feat_split():
    scratch = [
        pltpu.VMEM((BLK, SUB), jnp.int32),
        pltpu.VMEM((BLK, SUB), jnp.int32),
        pltpu.VMEM((SUB, 128), jnp.float32),
        pltpu.VMEM((SUB, 128), jnp.float32),
        pltpu.VMEM_SHARED((ACC_ROWS, 128), jnp.float32),
        pltpu.SemaphoreType.DMA,
        pltpu.SemaphoreType.DMA,
    ]

    def body(tab_lo, tab_hi, src_hbm, dst_hbm, zrow_hbm,
             agg_lo_hbm, agg_hi_hbm,
             src_buf, dst_buf, rows0, rows1, acc, sg0, sg1):
        c = lax.axis_index("c")
        s = lax.axis_index("s")

        pltpu.sync_copy(zrow_hbm, acc.at[pl.ds(s * RD, RD)])
        plsc.subcore_barrier()

        @pl.when(c == 0)
        def _():
            _pipelined_agg(tab_lo, src_hbm, dst_hbm, s * CH1, CH1 // BLK,
                           src_buf, dst_buf, rows0, rows1, acc, sg0, sg1)

        @pl.when(c == 1)
        def _():
            _pipelined_agg(tab_hi, src_hbm, dst_hbm, s * CH1, CH1 // BLK,
                           src_buf, dst_buf, rows0, rows1, acc, sg0, sg1)

        plsc.subcore_barrier()

        @pl.when(c == 0)
        def _():
            pltpu.sync_copy(acc.at[pl.ds(s * RD, RD)],
                            agg_lo_hbm.at[pl.ds(s * RD, RD)])

        @pl.when(c == 1)
        def _():
            pltpu.sync_copy(acc.at[pl.ds(s * RD, RD)],
                            agg_hi_hbm.at[pl.ds(s * RD, RD)])

    return pl.kernel(body, mesh=plsc.VectorSubcoreMesh(**_MESH),
                     out_type=[_acc_out(), _acc_out()],
                     scratch_types=scratch)


def _tc0_body(aa_ref, ab_ref, ca_ref, cb_ref, x_ref, wl_ref, bl_ref, wr_ref,
              olo_ref, ohi_ref):
    cnt = ca_ref[:, 0:1] + cb_ref[:, 0:1]
    r = 1.0 / jnp.maximum(cnt, 1.0)
    mean = (aa_ref[...] + ab_ref[...]) * r
    h = jnp.dot(mean, wl_ref[...], preferred_element_type=jnp.float32)
    h += jnp.dot(x_ref[...], wr_ref[...], preferred_element_type=jnp.float32)
    h = jnp.maximum(h + bl_ref[...], 0.0)
    olo_ref[...] = h[:, :128]
    ohi_ref[...] = h[:, 128:]


def _tc1_body(al_ref, ah_ref, ca_ref, cb_ref, hlo_ref, hhi_ref, wl_ref,
              bl_ref, wr_ref, w1_ref, b1_ref, w2_ref, b2_ref, w3_ref, b3_ref,
              o_ref):
    cnt = ca_ref[:, 0:1] + cb_ref[:, 0:1]
    r = 1.0 / jnp.maximum(cnt, 1.0)
    wl = wl_ref[...]
    wr = wr_ref[...]
    h = jnp.dot(al_ref[...] * r, wl[:128], preferred_element_type=jnp.float32)
    h += jnp.dot(ah_ref[...] * r, wl[128:], preferred_element_type=jnp.float32)
    h += jnp.dot(hlo_ref[...], wr[:128], preferred_element_type=jnp.float32)
    h += jnp.dot(hhi_ref[...], wr[128:], preferred_element_type=jnp.float32)
    h = jnp.maximum(h + bl_ref[...], 0.0)
    h = jnp.maximum(jnp.dot(h, w1_ref[...],
                            preferred_element_type=jnp.float32) + b1_ref[...],
                    0.0)
    h = jnp.maximum(jnp.dot(h, w2_ref[...],
                            preferred_element_type=jnp.float32) + b2_ref[...],
                    0.0)
    o_ref[...] = jnp.dot(h, w3_ref[...],
                         preferred_element_type=jnp.float32) + b3_ref[...]


_R = 1000


def _row_spec(w):
    return pl.BlockSpec((_R, w), lambda i: (i, 0))


def _full_spec(shape):
    return pl.BlockSpec(shape, lambda i: (0,) * len(shape))


def _tc0(aa, ab, ca, cb, x, wl, bl, wr):
    return pl.pallas_call(
        _tc0_body,
        grid=(N_NODES // _R,),
        in_specs=[
            _row_spec(128), _row_spec(128), _row_spec(128), _row_spec(128),
            _row_spec(128),
            _full_spec((128, 256)), _full_spec((1, 256)),
            _full_spec((128, 256)),
        ],
        out_specs=[_row_spec(128), _row_spec(128)],
        out_shape=[jax.ShapeDtypeStruct((N_NODES, 128), jnp.float32)] * 2,
    )(aa, ab, ca, cb, x, wl, bl, wr)


def _tc1(al, ah, ca, cb, hlo, hhi, wl, bl, wr, w1, b1, w2, b2, w3, b3):
    return pl.pallas_call(
        _tc1_body,
        grid=(N_NODES // _R,),
        in_specs=[
            _row_spec(128), _row_spec(128), _row_spec(128), _row_spec(128),
            _row_spec(128), _row_spec(128),
            _full_spec((256, 256)), _full_spec((1, 256)),
            _full_spec((256, 256)),
            _full_spec((256, 256)), _full_spec((1, 256)),
            _full_spec((256, 256)), _full_spec((1, 256)),
            _full_spec((256, 128)), _full_spec((1, 128)),
        ],
        out_specs=_row_spec(128),
        out_shape=jax.ShapeDtypeStruct((N_NODES, 128), jnp.float32),
    )(al, ah, ca, cb, hlo, hhi, wl, bl, wr, w1, b1, w2, b2, w3, b3)


def kernel(x, edge_index, Wl0, bl0, Wr0, Wl1, bl1, Wr1, W1, b1, W2, b2,
           W3, b3):
    i32 = jnp.int32
    src = edge_index[0].astype(i32)
    dst = edge_index[1].astype(i32)
    pad = E_PAD - N_EDGES
    src_p = jnp.concatenate([src, jnp.zeros((pad,), i32)]).reshape(
        NT * CH1, SUB)
    dst_p = jnp.concatenate([dst, jnp.full((pad,), N_NODES, i32)]).reshape(
        NT * CH1, SUB)

    zrow = jnp.zeros((RD, 128), jnp.float32)
    ones = jnp.ones((SUB, 128), jnp.float32)

    acc_a, acc_b = _agg_edge_split()(x, src_p, dst_p, zrow)
    cnt_a, cnt_b = _count_edges()(dst_p, zrow, ones)
    ca = cnt_a[:N_NODES]
    cb = cnt_b[:N_NODES]

    h_lo, h_hi = _tc0(acc_a[:N_NODES], acc_b[:N_NODES], ca, cb, x,
                      Wl0, bl0.reshape(1, -1), Wr0)

    agg1_lo, agg1_hi = _agg_feat_split()(h_lo, h_hi, src_p, dst_p, zrow)

    w3p = jnp.pad(W3, ((0, 0), (0, 128 - W3.shape[1])))
    b3p = jnp.pad(b3, (0, 128 - b3.shape[0])).reshape(1, -1)
    out = _tc1(agg1_lo[:N_NODES], agg1_hi[:N_NODES], ca, cb, h_lo, h_hi,
               Wl1, bl1.reshape(1, -1), Wr1, W1, b1.reshape(1, -1),
               W2, b2.reshape(1, -1), w3p, b3p)
    return out[:, :40]

# --- scband reference (transcript-rebuilt; emitter-appended) ---
"""Pipeline reference for scband-gnn-67826123538462 (READ-ONLY COPY).

The authoritative reference and input builder live on the scoring server;
editing this copy changes nothing except your own understanding.
"""

import jax, jax.numpy as jnp
import numpy as np

IN_C = 128
HID_C = 256
OUT_C = 40
N_NODES = 10000
N_EDGES = 320000


def _glorot(key, shape):
    fan_in, fan_out = shape[0], shape[1]
    limit = np.sqrt(6.0 / (fan_in + fan_out))
    return jax.random.uniform(key, shape, dtype=jnp.float32, minval=-limit, maxval=limit)


def setup_inputs(seed: int = 0) -> dict:
    key = jax.random.key(seed)
    ks = jax.random.split(key, 12)
    x = jax.random.normal(ks[0], (N_NODES, IN_C), dtype=jnp.float32)
    edge_index = jax.random.randint(ks[1], (2, N_EDGES), 0, N_NODES, dtype=jnp.int64)
    # SAGEConv layer 0: in_channels -> hidden_channels
    Wl0 = _glorot(ks[2], (IN_C, HID_C))
    bl0 = jnp.zeros((HID_C,), dtype=jnp.float32)
    Wr0 = _glorot(ks[3], (IN_C, HID_C))
    # SAGEConv layer 1: hidden_channels -> hidden_channels
    Wl1 = _glorot(ks[4], (HID_C, HID_C))
    bl1 = jnp.zeros((HID_C,), dtype=jnp.float32)
    Wr1 = _glorot(ks[5], (HID_C, HID_C))
    # classifier MLP
    W1 = _glorot(ks[6], (HID_C, HID_C))
    b1 = jnp.zeros((HID_C,), dtype=jnp.float32)
    W2 = _glorot(ks[7], (HID_C, HID_C))
    b2 = jnp.zeros((HID_C,), dtype=jnp.float32)
    W3 = _glorot(ks[8], (HID_C, OUT_C))
    b3 = jnp.zeros((OUT_C,), dtype=jnp.float32)
    return {"x": x, "edge_index": edge_index, "Wl0": Wl0, "bl0": bl0, "Wr0": Wr0,
            "Wl1": Wl1, "bl1": bl1, "Wr1": Wr1,
            "W1": W1, "b1": b1, "W2": W2, "b2": b2, "W3": W3, "b3": b3}


def _sage_conv(x, edge_index, Wl, bl, Wr):
    # PyG SAGEConv with mean aggregation:
    #   out = lin_l(mean_{j in N(i)} x_j) + lin_r(x_i)
    src = edge_index[0]
    dst = edge_index[1]
    n = x.shape[0]
    msg = jnp.take(x, src, axis=0)                              # gather
    agg = jax.ops.segment_sum(msg, dst, num_segments=n)         # scatter-add
    cnt = jax.ops.segment_sum(jnp.ones((src.shape[0],), dtype=x.dtype), dst, num_segments=n)
    mean = agg / jnp.clip(cnt, 1.0, None)[:, None]
    return mean @ Wl + bl + x @ Wr


def reference(x, edge_index, Wl0, bl0, Wr0, Wl1, bl1, Wr1, W1, b1, W2, b2, W3, b3):
    h = jax.nn.relu(_sage_conv(x, edge_index, Wl0, bl0, Wr0))
    h = jax.nn.relu(_sage_conv(h, edge_index, Wl1, bl1, Wr1))
    h = jax.nn.relu(h @ W1 + b1)
    h = jax.nn.relu(h @ W2 + b2)
    out = h @ W3 + b3
    return out

if __name__ == "__main__":
    import jax
    _d = setup_inputs()
    print(jax.jit(kernel)(*tuple(_d.values())))

</pallas_src>

<mosaic_0001>
#map = affine_map<(d0, d1) -> (0, 0)>
module attributes {stable_mosaic.version = 14 : i64} {
  func.func @body(%arg0: i32, %arg1: i32, %arg2: memref<2560x128xi32, #tpu.memory_space<hbm>>, %arg3: memref<640x128xf32, #tpu.memory_space<hbm>>, %arg4: memref<128x128xf32, #tpu.memory_space<hbm>>, %arg5: memref<10240x128xf32, #tpu.memory_space<hbm>>, %arg6: memref<10240x128xf32, #tpu.memory_space<hbm>>, %arg7: memref<40x128xi32, #tpu.memory_space<vmem>>, %arg8: memref<128x128xf32, #tpu.memory_space<vmem>>, %arg9: memref<10240x128xf32, #tpu.memory_space<vmem_shared>>, %arg10: memref<!tpu.dma_semaphore, #tpu.memory_space<semaphore_mem>>, %arg11: memref<!tpu.dma_semaphore, #tpu.memory_space<semaphore_mem>>) attributes {dimension_semantics = [#tpu.dimension_semantics<core_parallel>, #tpu.dimension_semantics<subcore_parallel>], iteration_bounds = array<i64: 2, 16>, scalar_prefetch = 0 : i64, scratch_operands = 5 : i64, tpu.core_type = #tpu.core_type<sc_vector_subcore>, window_params = [{transform_indices = #map}, {transform_indices = #map}, {transform_indices = #map}, {transform_indices = #map}, {transform_indices = #map}]} {
    %mul3A = arith.constant 16 : i32
    %mul3A_0 = arith.muli %arg0, %mul3A : i32
    %add3A = arith.addi %mul3A_0, %arg1 : i32
    %mul3A_1 = arith.constant 640 : i32
    %mul3A_2 = arith.muli %arg1, %mul3A_1 : i32
    "tpu.region"() ({
      %run_scoped3A = tpu.sem_alloc : memref<!tpu.dma_semaphore, #tpu.memory_space<semaphore_mem>>
      %dma_start3A = arith.constant 0 : i32
      %dma_start3A_16 = tpu.memref_slice %arg9[%mul3A_2, %dma_start3A] : memref<10240x128xf32, #tpu.memory_space<vmem_shared>> -> memref<640x128xf32, #tpu.memory_space<vmem_shared>>
      tpu.enqueue_dma source(%arg3 : memref<640x128xf32, #tpu.memory_space<hbm>>) target(%dma_start3A_16 : memref<640x128xf32, #tpu.memory_space<vmem_shared>>) target_semaphore(%run_scoped3A : memref<!tpu.dma_semaphore, #tpu.memory_space<semaphore_mem>>)
      %dma_wait3A = arith.constant 0 : i32
      %dma_wait3A_17 = tpu.memref_slice %arg9[%mul3A_2, %dma_wait3A] : memref<10240x128xf32, #tpu.memory_space<vmem_shared>> -> memref<640x128xf32, #tpu.memory_space<vmem_shared>>
      tpu.wait_dma2 semaphore(%run_scoped3A : memref<!tpu.dma_semaphore, #tpu.memory_space<semaphore_mem>>) src(%arg3 : memref<640x128xf32, #tpu.memory_space<hbm>>) dst(%dma_wait3A_17 : memref<640x128xf32, #tpu.memory_space<vmem_shared>>)
      tpu.yield
    }) : () -> ()
    "tpu.region"() ({
      %run_scoped3A = tpu.sem_alloc : memref<!tpu.dma_semaphore, #tpu.memory_space<semaphore_mem>>
      tpu.enqueue_dma source(%arg4 : memref<128x128xf32, #tpu.memory_space<hbm>>) target(%arg8 : memref<128x128xf32, #tpu.memory_space<vmem>>) target_semaphore(%run_scoped3A : memref<!tpu.dma_semaphore, #tpu.memory_space<semaphore_mem>>)
      tpu.wait_dma2 semaphore(%run_scoped3A : memref<!tpu.dma_semaphore, #tpu.memory_space<semaphore_mem>>) src(%arg4 : memref<128x128xf32, #tpu.memory_space<hbm>>) dst(%arg8 : memref<128x128xf32, #tpu.memory_space<vmem>>)
      tpu.yield
    }) : () -> ()
    %barrier3A = arith.constant 0 : index
    tpu.barrier barrier_id(%barrier3A)
    %scan3A = arith.constant 0 : i32
    %scan3A_3 = arith.constant 0 : i32
    %scan3A_4 = arith.constant 2 : i32
    %scan3A_5 = arith.addi %scan3A_3, %scan3A_4 : i32
    %scan3A_6 = arith.constant 1 : i32
    scf.for %scan3A_16 = %scan3A_3 to %scan3A_5 step %scan3A_6  : i32 {
      %mul3A_17 = arith.constant 80 : i32
      %mul3A_18 = arith.muli %add3A, %mul3A_17 : i32
      %mul3A_19 = arith.constant 40 : i32
      %mul3A_20 = arith.muli %scan3A_16, %mul3A_19 : i32
      %add3A_21 = arith.addi %mul3A_18, %mul3A_20 : i32
      "tpu.region"() ({
        %run_scoped3A = tpu.sem_alloc : memref<!tpu.dma_semaphore, #tpu.memory_space<semaphore_mem>>
        %dma_start3A = arith.constant 0 : i32
        %dma_start3A_41 = tpu.memref_slice %arg2[%add3A_21, %dma_start3A] : memref<2560x128xi32, #tpu.memory_space<hbm>> -> memref<40x128xi32, #tpu.memory_space<hbm>>
        %dma_start3A_42 = arith.constant 0 : i32
        %dma_start3A_43 = tpu.memref_slice %arg2[%add3A_21, %dma_start3A_42] : memref<2560x128xi32, #tpu.memory_space<hbm>> -> memref<40x128xi32, #tpu.memory_space<hbm>>
        tpu.enqueue_dma source(%dma_start3A_43 : memref<40x128xi32, #tpu.memory_space<hbm>>) target(%arg7 : memref<40x128xi32, #tpu.memory_space<vmem>>) target_semaphore(%run_scoped3A : memref<!tpu.dma_semaphore, #tpu.memory_space<semaphore_mem>>)
        %dma_wait3A_44 = arith.constant 0 : i32
        %dma_wait3A_45 = tpu.memref_slice %arg2[%add3A_21, %dma_wait3A_44] : memref<2560x128xi32, #tpu.memory_space<hbm>> -> memref<40x128xi32, #tpu.memory_space<hbm>>
        %dma_wait3A_46 = arith.constant 0 : i32
        %dma_wait3A_47 = tpu.memref_slice %arg2[%add3A_21, %dma_wait3A_46] : memref<2560x128xi32, #tpu.memory_space<hbm>> -> memref<40x128xi32, #tpu.memory_space<hbm>>
        tpu.wait_dma2 semaphore(%run_scoped3A : memref<!tpu.dma_semaphore, #tpu.memory_space<semaphore_mem>>) src(%dma_wait3A_47 : memref<40x128xi32, #tpu.memory_space<hbm>>) dst(%arg7 : memref<40x128xi32, #tpu.memory_space<vmem>>)
        tpu.yield
      }) : () -> ()
      %scan3A_22 = arith.constant 0 : i32
      %scan3A_23 = arith.constant 0 : i32
      %scan3A_24 = arith.constant 20 : i32
      %scan3A_25 = arith.addi %scan3A_23, %scan3A_24 : i32
      %scan3A_26 = arith.constant 1 : i32
      scf.for %scan3A_41 = %scan3A_23 to %scan3A_25 step %scan3A_26  : i32 {
        %mul3A_42 = arith.constant 2 : i32
        %mul3A_43 = arith.muli %mul3A_42, %scan3A_41 : i32
        %dma_start3A = arith.constant 0 : i32
        %dma_start3A_44 = tpu.memref_slice %arg7[%mul3A_43, %dma_start3A] : memref<40x128xi32, #tpu.memory_space<vmem>> -> memref<1x128xi32, #tpu.memory_space<vmem>>
        %dma_start3A_45 = tpu.memref_squeeze %dma_start3A_44 : memref<1x128xi32, #tpu.memory_space<vmem>> -> memref<128xi32, #tpu.memory_space<vmem>>
        %dma_start3A_46 = arith.constant 0 : i32
        %dma_start3A_47 = arith.constant 0 : i32
        %dma_start3A_48 = tpu.memref_slice %arg9[%dma_start3A_46, %dma_start3A_47] : memref<10240x128xf32, #tpu.memory_space<vmem_shared>> -> memref<10240x128xf32, #tpu.memory_space<vmem_shared>>
        tpu.enqueue_indirect_dma source(%arg8 : memref<128x128xf32, #tpu.memory_space<vmem>>) target(%dma_start3A_48 : memref<10240x128xf32, #tpu.memory_space<vmem_shared>>) offsets(%dma_start3A_45 : memref<128xi32, #tpu.memory_space<vmem>>) semaphore(%arg10 : memref<!tpu.dma_semaphore, #tpu.memory_space<semaphore_mem>>) {add = true}
        %add3A_49 = arith.constant 1 : i32
        %add3A_50 = arith.addi %mul3A_43, %add3A_49 : i32
        %dma_start3A_51 = arith.constant 0 : i32
        %dma_start3A_52 = tpu.memref_slice %arg7[%add3A_50, %dma_start3A_51] : memref<40x128xi32, #tpu.memory_space<vmem>> -> memref<1x128xi32, #tpu.memory_space<vmem>>
        %dma_start3A_53 = tpu.memref_squeeze %dma_start3A_52 : memref<1x128xi32, #tpu.memory_space<vmem>> -> memref<128xi32, #tpu.memory_space<vmem>>
        %dma_start3A_54 = arith.constant 0 : i32
        %dma_start3A_55 = arith.constant 0 : i32
        %dma_start3A_56 = tpu.memref_slice %arg9[%dma_start3A_54, %dma_start3A_55] : memref<10240x128xf32, #tpu.memory_space<vmem_shared>> -> memref<10240x128xf32, #tpu.memory_space<vmem_shared>>
        tpu.enqueue_indirect_dma source(%arg8 : memref<128x128xf32, #tpu.memory_space<vmem>>) target(%dma_start3A_56 : memref<10240x128xf32, #tpu.memory_space<vmem_shared>>) offsets(%dma_start3A_53 : memref<128xi32, #tpu.memory_space<vmem>>) semaphore(%arg11 : memref<!tpu.dma_semaphore, #tpu.memory_space<semaphore_mem>>) {add = true}
        %add3A_57 = arith.constant 2 : i32
        %add3A_58 = arith.addi %mul3A_43, %add3A_57 : i32
        %lt3A = arith.constant 40 : i32
        %lt3A_59 = arith.cmpi slt, %add3A_58, %lt3A : i32
        %convert_element_type3A_60 = arith.extui %lt3A_59 : i1 to i32
        %cond3A_61 = arith.constant 0 : i32
        %cond3A_62 = arith.cmpi ne, %convert_element_type3A_60, %cond3A_61 : i32
        scf.if %cond3A_62 {
          %dma_wait3A_63 = arith.constant 0 : i32
          %dma_wait3A_64 = arith.constant 0 : i32
          %dma_wait3A_65 = tpu.memref_slice %arg7[%dma_wait3A_63, %dma_wait3A_64] : memref<40x128xi32, #tpu.memory_space<vmem>> -> memref<1x128xi32, #tpu.memory_space<vmem>>
          %dma_wait3A_66 = tpu.memref_squeeze %dma_wait3A_65 : memref<1x128xi32, #tpu.memory_space<vmem>> -> memref<128xi32, #tpu.memory_space<vmem>>
          %dma_wait3A_67 = arith.constant 0 : i32
          %dma_wait3A_68 = arith.constant 0 : i32
          %dma_wait3A_69 = tpu.memref_slice %arg9[%dma_wait3A_67, %dma_wait3A_68] : memref<10240x128xf32, #tpu.memory_space<vmem_shared>> -> memref<10240x128xf32, #tpu.memory_space<vmem_shared>>
          tpu.wait_indirect_dma semaphore(%arg10 : memref<!tpu.dma_semaphore, #tpu.memory_space<semaphore_mem>>) src(%arg8 : memref<128x128xf32, #tpu.memory_space<vmem>>) dst(%dma_wait3A_69 : memref<10240x128xf32, #tpu.memory_space<vmem_shared>>)
          %dma_wait3A_70 = arith.constant 0 : i32
          %dma_wait3A_71 = arith.constant 0 : i32
          %dma_wait3A_72 = tpu.memref_slice %arg7[%dma_wait3A_70, %dma_wait3A_71] : memref<40x128xi32, #tpu.memory_space<vmem>> -> memref<1x128xi32, #tpu.memory_space<vmem>>
          %dma_wait3A_73 = tpu.memref_squeeze %dma_wait3A_72 : memref<1x128xi32, #tpu.memory_space<vmem>> -> memref<128xi32, #tpu.memory_space<vmem>>
          %dma_wait3A_74 = arith.constant 0 : i32
          %dma_wait3A_75 = arith.constant 0 : i32
          %dma_wait3A_76 = tpu.memref_slice %arg9[%dma_wait3A_74, %dma_wait3A_75] : memref<10240x128xf32, #tpu.memory_space<vmem_shared>> -> memref<10240x128xf32, #tpu.memory_space<vmem_shared>>
          tpu.wait_indirect_dma semaphore(%arg11 : memref<!tpu.dma_semaphore, #tpu.memory_space<semaphore_mem>>) src(%arg8 : memref<128x128xf32, #tpu.memory_space<vmem>>) dst(%dma_wait3A_76 : memref<10240x128xf32, #tpu.memory_space<vmem_shared>>)
        } else {
        }
      }
      %scan3A_27 = arith.constant 20 : i32
      %dma_wait3A = arith.constant 0 : i32
      %dma_wait3A_28 = arith.constant 0 : i32
      %dma_wait3A_29 = tpu.memref_slice %arg7[%dma_wait3A, %dma_wait3A_28] : memref<40x128xi32, #tpu.memory_space<vmem>> -> memref<1x128xi32, #tpu.memory_space<vmem>>
      %dma_wait3A_30 = tpu.memref_squeeze %dma_wait3A_29 : memref<1x128xi32, #tpu.memory_space<vmem>> -> memref<128xi32, #tpu.memory_space<vmem>>
      %dma_wait3A_31 = arith.constant 0 : i32
      %dma_wait3A_32 = arith.constant 0 : i32
      %dma_wait3A_33 = tpu.memref_slice %arg9[%dma_wait3A_31, %dma_wait3A_32] : memref<10240x128xf32, #tpu.memory_space<vmem_shared>> -> memref<10240x128xf32, #tpu.memory_space<vmem_shared>>
      tpu.wait_indirect_dma semaphore(%arg10 : memref<!tpu.dma_semaphore, #tpu.memory_space<semaphore_mem>>) src(%arg8 : memref<128x128xf32, #tpu.memory_space<vmem>>) dst(%dma_wait3A_33 : memref<10240x128xf32, #tpu.memory_space<vmem_shared>>)
      %dma_wait3A_34 = arith.constant 0 : i32
      %dma_wait3A_35 = arith.constant 0 : i32
      %dma_wait3A_36 = tpu.memref_slice %arg7[%dma_wait3A_34, %dma_wait3A_35] : memref<40x128xi32, #tpu.memory_space<vmem>> -> memref<1x128xi32, #tpu.memory_space<vmem>>
      %dma_wait3A_37 = tpu.memref_squeeze %dma_wait3A_36 : memref<1x128xi32, #tpu.memory_space<vmem>> -> memref<128xi32, #tpu.memory_space<vmem>>
      %dma_wait3A_38 = arith.constant 0 : i32
      %dma_wait3A_39 = arith.constant 0 : i32
      %dma_wait3A_40 = tpu.memref_slice %arg9[%dma_wait3A_38, %dma_wait3A_39] : memref<10240x128xf32, #tpu.memory_space<vmem_shared>> -> memref<10240x128xf32, #tpu.memory_space<vmem_shared>>
      tpu.wait_indirect_dma semaphore(%arg11 : memref<!tpu.dma_semaphore, #tpu.memory_space<semaphore_mem>>) src(%arg8 : memref<128x128xf32, #tpu.memory_space<vmem>>) dst(%dma_wait3A_40 : memref<10240x128xf32, #tpu.memory_space<vmem_shared>>)
    }
    %scan3A_7 = arith.constant 2 : i32
    %barrier3A_8 = arith.constant 0 : index
    tpu.barrier barrier_id(%barrier3A_8)
    %eq3A = arith.constant 0 : i32
    %eq3A_9 = arith.cmpi eq, %arg0, %eq3A : i32
    %convert_element_type3A = arith.extui %eq3A_9 : i1 to i32
    %cond3A = arith.constant 0 : i32
    %cond3A_10 = arith.cmpi ne, %convert_element_type3A, %cond3A : i32
    scf.if %cond3A_10 {
      %mul3A_16 = arith.constant 640 : i32
      %mul3A_17 = arith.muli %arg1, %mul3A_16 : i32
      %mul3A_18 = arith.constant 640 : i32
      %mul3A_19 = arith.muli %arg1, %mul3A_18 : i32
      "tpu.region"() ({
        %run_scoped3A = tpu.sem_alloc : memref<!tpu.dma_semaphore, #tpu.memory_space<semaphore_mem>>
        %dma_start3A = arith.constant 0 : i32
        %dma_start3A_20 = tpu.memref_slice %arg5[%mul3A_19, %dma_start3A] : memref<10240x128xf32, #tpu.memory_space<hbm>> -> memref<640x128xf32, #tpu.memory_space<hbm>>
        %dma_start3A_21 = arith.constant 0 : i32
        %dma_start3A_22 = tpu.memref_slice %arg9[%mul3A_17, %dma_start3A_21] : memref<10240x128xf32, #tpu.memory_space<vmem_shared>> -> memref<640x128xf32, #tpu.memory_space<vmem_shared>>
        tpu.enqueue_dma source(%dma_start3A_22 : memref<640x128xf32, #tpu.memory_space<vmem_shared>>) target(%dma_start3A_20 : memref<640x128xf32, #tpu.memory_space<hbm>>) target_semaphore(%run_scoped3A : memref<!tpu.dma_semaphore, #tpu.memory_space<semaphore_mem>>)
        %dma_wait3A = arith.constant 0 : i32
        %dma_wait3A_23 = tpu.memref_slice %arg5[%mul3A_19, %dma_wait3A] : memref<10240x128xf32, #tpu.memory_space<hbm>> -> memref<640x128xf32, #tpu.memory_space<hbm>>
        %dma_wait3A_24 = arith.constant 0 : i32
        %dma_wait3A_25 = tpu.memref_slice %arg9[%mul3A_17, %dma_wait3A_24] : memref<10240x128xf32, #tpu.memory_space<vmem_shared>> -> memref<640x128xf32, #tpu.memory_space<vmem_shared>>
        tpu.wait_dma2 semaphore(%run_scoped3A : memref<!tpu.dma_semaphore, #tpu.memory_space<semaphore_mem>>) src(%dma_wait3A_25 : memref<640x128xf32, #tpu.memory_space<vmem_shared>>) dst(%dma_wait3A_23 : memref<640x128xf32, #tpu.memory_space<hbm>>)
        tpu.yield
      }) : () -> ()
    } else {
    }
    %eq3A_11 = arith.constant 1 : i32
    %eq3A_12 = arith.cmpi eq, %arg0, %eq3A_11 : i32
    %convert_element_type3A_13 = arith.extui %eq3A_12 : i1 to i32
    %cond3A_14 = arith.constant 0 : i32
    %cond3A_15 = arith.cmpi ne, %convert_element_type3A_13, %cond3A_14 : i32
    scf.if %cond3A_15 {
      %mul3A_16 = arith.constant 640 : i32
      %mul3A_17 = arith.muli %arg1, %mul3A_16 : i32
      %mul3A_18 = arith.constant 640 : i32
      %mul3A_19 = arith.muli %arg1, %mul3A_18 : i32
      "tpu.region"() ({
        %run_scoped3A = tpu.sem_alloc : memref<!tpu.dma_semaphore, #tpu.memory_space<semaphore_mem>>
        %dma_start3A = arith.constant 0 : i32
        %dma_start3A_20 = tpu.memref_slice %arg6[%mul3A_19, %dma_start3A] : memref<10240x128xf32, #tpu.memory_space<hbm>> -> memref<640x128xf32, #tpu.memory_space<hbm>>
        %dma_start3A_21 = arith.constant 0 : i32
        %dma_start3A_22 = tpu.memref_slice %arg9[%mul3A_17, %dma_start3A_21] : memref<10240x128xf32, #tpu.memory_space<vmem_shared>> -> memref<640x128xf32, #tpu.memory_space<vmem_shared>>
        tpu.enqueue_dma source(%dma_start3A_22 : memref<640x128xf32, #tpu.memory_space<vmem_shared>>) target(%dma_start3A_20 : memref<640x128xf32, #tpu.memory_space<hbm>>) target_semaphore(%run_scoped3A : memref<!tpu.dma_semaphore, #tpu.memory_space<semaphore_mem>>)
        %dma_wait3A = arith.constant 0 : i32
        %dma_wait3A_23 = tpu.memref_slice %arg6[%mul3A_19, %dma_wait3A] : memref<10240x128xf32, #tpu.memory_space<hbm>> -> memref<640x128xf32, #tpu.memory_space<hbm>>
        %dma_wait3A_24 = arith.constant 0 : i32
        %dma_wait3A_25 = tpu.memref_slice %arg9[%mul3A_17, %dma_wait3A_24] : memref<10240x128xf32, #tpu.memory_space<vmem_shared>> -> memref<640x128xf32, #tpu.memory_space<vmem_shared>>
        tpu.wait_dma2 semaphore(%run_scoped3A : memref<!tpu.dma_semaphore, #tpu.memory_space<semaphore_mem>>) src(%dma_wait3A_25 : memref<640x128xf32, #tpu.memory_space<vmem_shared>>) dst(%dma_wait3A_23 : memref<640x128xf32, #tpu.memory_space<hbm>>)
        tpu.yield
      }) : () -> ()
    } else {
    }
    return
  }
}

#map = affine_map<(d0, d1) -> (0, 0)>
module attributes {stable_mosaic.version = 14 : i64} {
  func.func @body(%arg0: i32, %arg1: i32, %arg2: memref<10000x128xf32, #tpu.memory_space<hbm>>, %arg3: memref<2560x128xi32, #tpu.memory_space<hbm>>, %arg4: memref<2560x128xi32, #tpu.memory_space<hbm>>, %arg5: memref<640x128xf32, #tpu.memory_space<hbm>>, %arg6: memref<10240x128xf32, #tpu.memory_space<hbm>>, %arg7: memref<10240x128xf32, #tpu.memory_space<hbm>>, %arg8: memref<40x128xi32, #tpu.memory_space<vmem>>, %arg9: memref<40x128xi32, #tpu.memory_space<vmem>>, %arg10: memref<128x128xf32, #tpu.memory_space<vmem>>, %arg11: memref<128x128xf32, #tpu.memory_space<vmem>>, %arg12: memref<10240x128xf32, #tpu.memory_space<vmem_shared>>, %arg13: memref<!tpu.dma_semaphore, #tpu.memory_space<semaphore_mem>>, %arg14: memref<!tpu.dma_semaphore, #tpu.memory_space<semaphore_mem>>) attributes {dimension_semantics = [#tpu.dimension_semantics<core_parallel>, #tpu.dimension_semantics<subcore_parallel>], iteration_bounds = array<i64: 2, 16>, scalar_prefetch = 0 : i64, scratch_operands = 7 : i64, tpu.core_type = #tpu.core_type<sc_vector_subcore>, window_params = [{transform_indices = #map}, {transform_indices = #map}, {transform_indices = #map}, {transform_indices = #map}, {transform_indices = #map}, {transform_indices = #map}]} {
    %mul3A = arith.constant 16 : i32
    %mul3A_0 = arith.muli %arg0, %mul3A : i32
    %add3A = arith.addi %mul3A_0, %arg1 : i32
    %mul3A_1 = arith.constant 640 : i32
    %mul3A_2 = arith.muli %arg1, %mul3A_1 : i32
    "tpu.region"() ({
      %run_scoped3A = tpu.sem_alloc : memref<!tpu.dma_semaphore, #tpu.memory_space<semaphore_mem>>
      %dma_start3A = arith.constant 0 : i32
      %dma_start3A_18 = tpu.memref_slice %arg12[%mul3A_2, %dma_start3A] : memref<10240x128xf32, #tpu.memory_space<vmem_shared>> -> memref<640x128xf32, #tpu.memory_space<vmem_shared>>
      tpu.enqueue_dma source(%arg5 : memref<640x128xf32, #tpu.memory_space<hbm>>) target(%dma_start3A_18 : memref<640x128xf32, #tpu.memory_space<vmem_shared>>) target_semaphore(%run_scoped3A : memref<!tpu.dma_semaphore, #tpu.memory_space<semaphore_mem>>)
      %dma_wait3A = arith.constant 0 : i32
      %dma_wait3A_19 = tpu.memref_slice %arg12[%mul3A_2, %dma_wait3A] : memref<10240x128xf32, #tpu.memory_space<vmem_shared>> -> memref<640x128xf32, #tpu.memory_space<vmem_shared>>
      tpu.wait_dma2 semaphore(%run_scoped3A : memref<!tpu.dma_semaphore, #tpu.memory_space<semaphore_mem>>) src(%arg5 : memref<640x128xf32, #tpu.memory_space<hbm>>) dst(%dma_wait3A_19 : memref<640x128xf32, #tpu.memory_space<vmem_shared>>)
      tpu.yield
    }) : () -> ()
    %barrier3A = arith.constant 0 : index
    tpu.barrier barrier_id(%barrier3A)
    %mul3A_3 = arith.constant 80 : i32
    %mul3A_4 = arith.muli %add3A, %mul3A_3 : i32
    %scan3A = arith.constant 0 : i32
    %scan3A_5 = arith.constant 0 : i32
    %scan3A_6 = arith.constant 2 : i32
    %scan3A_7 = arith.addi %scan3A_5, %scan3A_6 : i32
    %scan3A_8 = arith.constant 1 : i32
    scf.for %scan3A_18 = %scan3A_5 to %scan3A_7 step %scan3A_8  : i32 {
      %mul3A_19 = arith.constant 40 : i32
      %mul3A_20 = arith.muli %scan3A_18, %mul3A_19 : i32
      %add3A_21 = arith.addi %mul3A_4, %mul3A_20 : i32
      "tpu.region"() ({
        %run_scoped3A = tpu.sem_alloc : memref<!tpu.dma_semaphore, #tpu.memory_space<semaphore_mem>>
        %dma_start3A_34 = arith.constant 0 : i32
        %dma_start3A_35 = tpu.memref_slice %arg3[%add3A_21, %dma_start3A_34] : memref<2560x128xi32, #tpu.memory_space<hbm>> -> memref<40x128xi32, #tpu.memory_space<hbm>>
        %dma_start3A_36 = arith.constant 0 : i32
        %dma_start3A_37 = tpu.memref_slice %arg3[%add3A_21, %dma_start3A_36] : memref<2560x128xi32, #tpu.memory_space<hbm>> -> memref<40x128xi32, #tpu.memory_space<hbm>>
        tpu.enqueue_dma source(%dma_start3A_37 : memref<40x128xi32, #tpu.memory_space<hbm>>) target(%arg8 : memref<40x128xi32, #tpu.memory_space<vmem>>) target_semaphore(%run_scoped3A : memref<!tpu.dma_semaphore, #tpu.memory_space<semaphore_mem>>)
        %dma_wait3A = arith.constant 0 : i32
        %dma_wait3A_38 = tpu.memref_slice %arg3[%add3A_21, %dma_wait3A] : memref<2560x128xi32, #tpu.memory_space<hbm>> -> memref<40x128xi32, #tpu.memory_space<hbm>>
        %dma_wait3A_39 = arith.constant 0 : i32
        %dma_wait3A_40 = tpu.memref_slice %arg3[%add3A_21, %dma_wait3A_39] : memref<2560x128xi32, #tpu.memory_space<hbm>> -> memref<40x128xi32, #tpu.memory_space<hbm>>
        tpu.wait_dma2 semaphore(%run_scoped3A : memref<!tpu.dma_semaphore, #tpu.memory_space<semaphore_mem>>) src(%dma_wait3A_40 : memref<40x128xi32, #tpu.memory_space<hbm>>) dst(%arg8 : memref<40x128xi32, #tpu.memory_space<vmem>>)
        tpu.yield
      }) : () -> ()
      "tpu.region"() ({
        %run_scoped3A = tpu.sem_alloc : memref<!tpu.dma_semaphore, #tpu.memory_space<semaphore_mem>>
        %dma_start3A_34 = arith.constant 0 : i32
        %dma_start3A_35 = tpu.memref_slice %arg4[%add3A_21, %dma_start3A_34] : memref<2560x128xi32, #tpu.memory_space<hbm>> -> memref<40x128xi32, #tpu.memory_space<hbm>>
        %dma_start3A_36 = arith.constant 0 : i32
        %dma_start3A_37 = tpu.memref_slice %arg4[%add3A_21, %dma_start3A_36] : memref<2560x128xi32, #tpu.memory_space<hbm>> -> memref<40x128xi32, #tpu.memory_space<hbm>>
        tpu.enqueue_dma source(%dma_start3A_37 : memref<40x128xi32, #tpu.memory_space<hbm>>) target(%arg9 : memref<40x128xi32, #tpu.memory_space<vmem>>) target_semaphore(%run_scoped3A : memref<!tpu.dma_semaphore, #tpu.memory_space<semaphore_mem>>)
        %dma_wait3A = arith.constant 0 : i32
        %dma_wait3A_38 = tpu.memref_slice %arg4[%add3A_21, %dma_wait3A] : memref<2560x128xi32, #tpu.memory_space<hbm>> -> memref<40x128xi32, #tpu.memory_space<hbm>>
        %dma_wait3A_39 = arith.constant 0 : i32
        %dma_wait3A_40 = tpu.memref_slice %arg4[%add3A_21, %dma_wait3A_39] : memref<2560x128xi32, #tpu.memory_space<hbm>> -> memref<40x128xi32, #tpu.memory_space<hbm>>
        tpu.wait_dma2 semaphore(%run_scoped3A : memref<!tpu.dma_semaphore, #tpu.memory_space<semaphore_mem>>) src(%dma_wait3A_40 : memref<40x128xi32, #tpu.memory_space<hbm>>) dst(%arg9 : memref<40x128xi32, #tpu.memory_space<vmem>>)
        tpu.yield
      }) : () -> ()
      %dma_start3A = arith.constant 0 : i32
      %dma_start3A_22 = arith.constant 0 : i32
      %dma_start3A_23 = tpu.memref_slice %arg8[%dma_start3A, %dma_start3A_22] : memref<40x128xi32, #tpu.memory_space<vmem>> -> memref<1x128xi32, #tpu.memory_space<vmem>>
      %dma_start3A_24 = tpu.memref_squeeze %dma_start3A_23 : memref<1x128xi32, #tpu.memory_space<vmem>> -> memref<128xi32, #tpu.memory_space<vmem>>
      %dma_start3A_25 = arith.constant 0 : i32
      %dma_start3A_26 = arith.constant 0 : i32
      %dma_start3A_27 = tpu.memref_slice %arg2[%dma_start3A_25, %dma_start3A_26] : memref<10000x128xf32, #tpu.memory_space<hbm>> -> memref<10000x128xf32, #tpu.memory_space<hbm>>
      tpu.enqueue_indirect_dma source(%dma_start3A_27 : memref<10000x128xf32, #tpu.memory_space<hbm>>) target(%arg10 : memref<128x128xf32, #tpu.memory_space<vmem>>) offsets(%dma_start3A_24 : memref<128xi32, #tpu.memory_space<vmem>>) semaphore(%arg13 : memref<!tpu.dma_semaphore, #tpu.memory_space<semaphore_mem>>)
      %scan3A_28 = arith.constant 0 : i32
      %scan3A_29 = arith.constant 0 : i32
      %scan3A_30 = arith.constant 20 : i32
      %scan3A_31 = arith.addi %scan3A_29, %scan3A_30 : i32
      %scan3A_32 = arith.constant 1 : i32
      scf.for %scan3A_34 = %scan3A_29 to %scan3A_31 step %scan3A_32  : i32 {
        %mul3A_35 = arith.constant 2 : i32
        %mul3A_36 = arith.muli %mul3A_35, %scan3A_34 : i32
        %add3A_37 = arith.constant 1 : i32
        %add3A_38 = arith.addi %mul3A_36, %add3A_37 : i32
        %dma_start3A_39 = arith.constant 0 : i32
        %dma_start3A_40 = tpu.memref_slice %arg8[%add3A_38, %dma_start3A_39] : memref<40x128xi32, #tpu.memory_space<vmem>> -> memref<1x128xi32, #tpu.memory_space<vmem>>
        %dma_start3A_41 = tpu.memref_squeeze %dma_start3A_40 : memref<1x128xi32, #tpu.memory_space<vmem>> -> memref<128xi32, #tpu.memory_space<vmem>>
        %dma_start3A_42 = arith.constant 0 : i32
        %dma_start3A_43 = arith.constant 0 : i32
        %dma_start3A_44 = tpu.memref_slice %arg2[%dma_start3A_42, %dma_start3A_43] : memref<10000x128xf32, #tpu.memory_space<hbm>> -> memref<10000x128xf32, #tpu.memory_space<hbm>>
        tpu.enqueue_indirect_dma source(%dma_start3A_44 : memref<10000x128xf32, #tpu.memory_space<hbm>>) target(%arg11 : memref<128x128xf32, #tpu.memory_space<vmem>>) offsets(%dma_start3A_41 : memref<128xi32, #tpu.memory_space<vmem>>) semaphore(%arg14 : memref<!tpu.dma_semaphore, #tpu.memory_space<semaphore_mem>>)
        %dma_wait3A = arith.constant 0 : i32
        %dma_wait3A_45 = tpu.memref_slice %arg8[%mul3A_36, %dma_wait3A] : memref<40x128xi32, #tpu.memory_space<vmem>> -> memref<1x128xi32, #tpu.memory_space<vmem>>
        %dma_wait3A_46 = tpu.memref_squeeze %dma_wait3A_45 : memref<1x128xi32, #tpu.memory_space<vmem>> -> memref<128xi32, #tpu.memory_space<vmem>>
        %dma_wait3A_47 = arith.constant 0 : i32
        %dma_wait3A_48 = arith.constant 0 : i32
        %dma_wait3A_49 = tpu.memref_slice %arg2[%dma_wait3A_47, %dma_wait3A_48] : memref<10000x128xf32, #tpu.memory_space<hbm>> -> memref<10000x128xf32, #tpu.memory_space<hbm>>
        tpu.wait_indirect_dma semaphore(%arg13 : memref<!tpu.dma_semaphore, #tpu.memory_space<semaphore_mem>>) src(%dma_wait3A_49 : memref<10000x128xf32, #tpu.memory_space<hbm>>) dst(%arg10 : memref<128x128xf32, #tpu.memory_space<vmem>>)
        "tpu.region"() ({
          %run_scoped3A = tpu.sem_alloc : memref<!tpu.dma_semaphore, #tpu.memory_space<semaphore_mem>>
          %dma_start3A_66 = arith.constant 0 : i32
          %dma_start3A_67 = tpu.memref_slice %arg9[%mul3A_36, %dma_start3A_66] : memref<40x128xi32, #tpu.memory_space<vmem>> -> memref<1x128xi32, #tpu.memory_space<vmem>>
          %dma_start3A_68 = tpu.memref_squeeze %dma_start3A_67 : memref<1x128xi32, #tpu.memory_space<vmem>> -> memref<128xi32, #tpu.memory_space<vmem>>
          %dma_start3A_69 = arith.constant 0 : i32
          %dma_start3A_70 = arith.constant 0 : i32
          %dma_start3A_71 = tpu.memref_slice %arg12[%dma_start3A_69, %dma_start3A_70] : memref<10240x128xf32, #tpu.memory_space<vmem_shared>> -> memref<10240x128xf32, #tpu.memory_space<vmem_shared>>
          tpu.enqueue_indirect_dma source(%arg10 : memref<128x128xf32, #tpu.memory_space<vmem>>) target(%dma_start3A_71 : memref<10240x128xf32, #tpu.memory_space<vmem_shared>>) offsets(%dma_start3A_68 : memref<128xi32, #tpu.memory_space<vmem>>) semaphore(%run_scoped3A : memref<!tpu.dma_semaphore, #tpu.memory_space<semaphore_mem>>) {add = true}
          %dma_wait3A_72 = arith.constant 0 : i32
          %dma_wait3A_73 = tpu.memref_slice %arg9[%mul3A_36, %dma_wait3A_72] : memref<40x128xi32, #tpu.memory_space<vmem>> -> memref<1x128xi32, #tpu.memory_space<vmem>>
          %dma_wait3A_74 = tpu.memref_squeeze %dma_wait3A_73 : memref<1x128xi32, #tpu.memory_space<vmem>> -> memref<128xi32, #tpu.memory_space<vmem>>
          %dma_wait3A_75 = arith.constant 0 : i32
          %dma_wait3A_76 = arith.constant 0 : i32
          %dma_wait3A_77 = tpu.memref_slice %arg12[%dma_wait3A_75, %dma_wait3A_76] : memref<10240x128xf32, #tpu.memory_space<vmem_shared>> -> memref<10240x128xf32, #tpu.memory_space<vmem_shared>>
          tpu.wait_indirect_dma semaphore(%run_scoped3A : memref<!tpu.dma_semaphore, #tpu.memory_space<semaphore_mem>>) src(%arg10 : memref<128x128xf32, #tpu.memory_space<vmem>>) dst(%dma_wait3A_77 : memref<10240x128xf32, #tpu.memory_space<vmem_shared>>)
          tpu.yield
        }) : () -> ()
        %add3A_50 = arith.constant 2 : i32
        %add3A_51 = arith.addi %mul3A_36, %add3A_50 : i32
        %lt3A = arith.constant 40 : i32
        %lt3A_52 = arith.cmpi slt, %add3A_51, %lt3A : i32
        %convert_element_type3A_53 = arith.extui %lt3A_52 : i1 to i32
        %cond3A_54 = arith.constant 0 : i32
        %cond3A_55 = arith.cmpi ne, %convert_element_type3A_53, %cond3A_54 : i32
        scf.if %cond3A_55 {
          %add3A_66 = arith.constant 2 : i32
          %add3A_67 = arith.addi %mul3A_36, %add3A_66 : i32
          %dma_start3A_68 = arith.constant 0 : i32
          %dma_start3A_69 = tpu.memref_slice %arg8[%add3A_67, %dma_start3A_68] : memref<40x128xi32, #tpu.memory_space<vmem>> -> memref<1x128xi32, #tpu.memory_space<vmem>>
          %dma_start3A_70 = tpu.memref_squeeze %dma_start3A_69 : memref<1x128xi32, #tpu.memory_space<vmem>> -> memref<128xi32, #tpu.memory_space<vmem>>
          %dma_start3A_71 = arith.constant 0 : i32
          %dma_start3A_72 = arith.constant 0 : i32
          %dma_start3A_73 = tpu.memref_slice %arg2[%dma_start3A_71, %dma_start3A_72] : memref<10000x128xf32, #tpu.memory_space<hbm>> -> memref<10000x128xf32, #tpu.memory_space<hbm>>
          tpu.enqueue_indirect_dma source(%dma_start3A_73 : memref<10000x128xf32, #tpu.memory_space<hbm>>) target(%arg10 : memref<128x128xf32, #tpu.memory_space<vmem>>) offsets(%dma_start3A_70 : memref<128xi32, #tpu.memory_space<vmem>>) semaphore(%arg13 : memref<!tpu.dma_semaphore, #tpu.memory_space<semaphore_mem>>)
        } else {
        }
        %add3A_56 = arith.constant 1 : i32
        %add3A_57 = arith.addi %mul3A_36, %add3A_56 : i32
        %dma_wait3A_58 = arith.constant 0 : i32
        %dma_wait3A_59 = tpu.memref_slice %arg8[%add3A_57, %dma_wait3A_58] : memref<40x128xi32, #tpu.memory_space<vmem>> -> memref<1x128xi32, #tpu.memory_space<vmem>>
        %dma_wait3A_60 = tpu.memref_squeeze %dma_wait3A_59 : memref<1x128xi32, #tpu.memory_space<vmem>> -> memref<128xi32, #tpu.memory_space<vmem>>
        %dma_wait3A_61 = arith.constant 0 : i32
        %dma_wait3A_62 = arith.constant 0 : i32
        %dma_wait3A_63 = tpu.memref_slice %arg2[%dma_wait3A_61, %dma_wait3A_62] : memref<10000x128xf32, #tpu.memory_space<hbm>> -> memref<10000x128xf32, #tpu.memory_space<hbm>>
        tpu.wait_indirect_dma semaphore(%arg14 : memref<!tpu.dma_semaphore, #tpu.memory_space<semaphore_mem>>) src(%dma_wait3A_63 : memref<10000x128xf32, #tpu.memory_space<hbm>>) dst(%arg11 : memref<128x128xf32, #tpu.memory_space<vmem>>)
        %add3A_64 = arith.constant 1 : i32
        %add3A_65 = arith.addi %mul3A_36, %add3A_64 : i32
        "tpu.region"() ({
          %run_scoped3A = tpu.sem_alloc : memref<!tpu.dma_semaphore, #tpu.memory_space<semaphore_mem>>
          %dma_start3A_66 = arith.constant 0 : i32
          %dma_start3A_67 = tpu.memref_slice %arg9[%add3A_65, %dma_start3A_66] : memref<40x128xi32, #tpu.memory_space<vmem>> -> memref<1x128xi32, #tpu.memory_space<vmem>>
          %dma_start3A_68 = tpu.memref_squeeze %dma_start3A_67 : memref<1x128xi32, #tpu.memory_space<vmem>> -> memref<128xi32, #tpu.memory_space<vmem>>
          %dma_start3A_69 = arith.constant 0 : i32
          %dma_start3A_70 = arith.constant 0 : i32
          %dma_start3A_71 = tpu.memref_slice %arg12[%dma_start3A_69, %dma_start3A_70] : memref<10240x128xf32, #tpu.memory_space<vmem_shared>> -> memref<10240x128xf32, #tpu.memory_space<vmem_shared>>
          tpu.enqueue_indirect_dma source(%arg11 : memref<128x128xf32, #tpu.memory_space<vmem>>) target(%dma_start3A_71 : memref<10240x128xf32, #tpu.memory_space<vmem_shared>>) offsets(%dma_start3A_68 : memref<128xi32, #tpu.memory_space<vmem>>) semaphore(%run_scoped3A : memref<!tpu.dma_semaphore, #tpu.memory_space<semaphore_mem>>) {add = true}
          %dma_wait3A_72 = arith.constant 0 : i32
          %dma_wait3A_73 = tpu.memref_slice %arg9[%add3A_65, %dma_wait3A_72] : memref<40x128xi32, #tpu.memory_space<vmem>> -> memref<1x128xi32, #tpu.memory_space<vmem>>
          %dma_wait3A_74 = tpu.memref_squeeze %dma_wait3A_73 : memref<1x128xi32, #tpu.memory_space<vmem>> -> memref<128xi32, #tpu.memory_space<vmem>>
          %dma_wait3A_75 = arith.constant 0 : i32
          %dma_wait3A_76 = arith.constant 0 : i32
          %dma_wait3A_77 = tpu.memref_slice %arg12[%dma_wait3A_75, %dma_wait3A_76] : memref<10240x128xf32, #tpu.memory_space<vmem_shared>> -> memref<10240x128xf32, #tpu.memory_space<vmem_shared>>
          tpu.wait_indirect_dma semaphore(%run_scoped3A : memref<!tpu.dma_semaphore, #tpu.memory_space<semaphore_mem>>) src(%arg11 : memref<128x128xf32, #tpu.memory_space<vmem>>) dst(%dma_wait3A_77 : memref<10240x128xf32, #tpu.memory_space<vmem_shared>>)
          tpu.yield
        }) : () -> ()
      }
      %scan3A_33 = arith.constant 20 : i32
    }
    %scan3A_9 = arith.constant 2 : i32
    %barrier3A_10 = arith.constant 0 : index
    tpu.barrier barrier_id(%barrier3A_10)
    %eq3A = arith.constant 0 : i32
    %eq3A_11 = arith.cmpi eq, %arg0, %eq3A : i32
    %convert_element_type3A = arith.extui %eq3A_11 : i1 to i32
    %cond3A = arith.constant 0 : i32
    %cond3A_12 = arith.cmpi ne, %convert_element_type3A, %cond3A : i32
    scf.if %cond3A_12 {
      %mul3A_18 = arith.constant 640 : i32
      %mul3A_19 = arith.muli %arg1, %mul3A_18 : i32
      %mul3A_20 = arith.constant 640 : i32
      %mul3A_21 = arith.muli %arg1, %mul3A_20 : i32
      "tpu.region"() ({
        %run_scoped3A = tpu.sem_alloc : memref<!tpu.dma_semaphore, #tpu.memory_space<semaphore_mem>>
        %dma_start3A = arith.constant 0 : i32
        %dma_start3A_22 = tpu.memref_slice %arg6[%mul3A_21, %dma_start3A] : memref<10240x128xf32, #tpu.memory_space<hbm>> -> memref<640x128xf32, #tpu.memory_space<hbm>>
        %dma_start3A_23 = arith.constant 0 : i32
        %dma_start3A_24 = tpu.memref_slice %arg12[%mul3A_19, %dma_start3A_23] : memref<10240x128xf32, #tpu.memory_space<vmem_shared>> -> memref<640x128xf32, #tpu.memory_space<vmem_shared>>
        tpu.enqueue_dma source(%dma_start3A_24 : memref<640x128xf32, #tpu.memory_space<vmem_shared>>) target(%dma_start3A_22 : memref<640x128xf32, #tpu.memory_space<hbm>>) target_semaphore(%run_scoped3A : memref<!tpu.dma_semaphore, #tpu.memory_space<semaphore_mem>>)
        %dma_wait3A = arith.constant 0 : i32
        %dma_wait3A_25 = tpu.memref_slice %arg6[%mul3A_21, %dma_wait3A] : memref<10240x128xf32, #tpu.memory_space<hbm>> -> memref<640x128xf32, #tpu.memory_space<hbm>>
        %dma_wait3A_26 = arith.constant 0 : i32
        %dma_wait3A_27 = tpu.memref_slice %arg12[%mul3A_19, %dma_wait3A_26] : memref<10240x128xf32, #tpu.memory_space<vmem_shared>> -> memref<640x128xf32, #tpu.memory_space<vmem_shared>>
        tpu.wait_dma2 semaphore(%run_scoped3A : memref<!tpu.dma_semaphore, #tpu.memory_space<semaphore_mem>>) src(%dma_wait3A_27 : memref<640x128xf32, #tpu.memory_space<vmem_shared>>) dst(%dma_wait3A_25 : memref<640x128xf32, #tpu.memory_space<hbm>>)
        tpu.yield
      }) : () -> ()
    } else {
    }
    %eq3A_13 = arith.constant 1 : i32
    %eq3A_14 = arith.cmpi eq, %arg0, %eq3A_13 : i32
    %convert_element_type3A_15 = arith.extui %eq3A_14 : i1 to i32
    %cond3A_16 = arith.constant 0 : i32
    %cond3A_17 = arith.cmpi ne, %convert_element_type3A_15, %cond3A_16 : i32
    scf.if %cond3A_17 {
      %mul3A_18 = arith.constant 640 : i32
      %mul3A_19 = arith.muli %arg1, %mul3A_18 : i32
      %mul3A_20 = arith.constant 640 : i32
      %mul3A_21 = arith.muli %arg1, %mul3A_20 : i32
      "tpu.region"() ({
        %run_scoped3A = tpu.sem_alloc : memref<!tpu.dma_semaphore, #tpu.memory_space<semaphore_mem>>
        %dma_start3A = arith.constant 0 : i32
        %dma_start3A_22 = tpu.memref_slice %arg7[%mul3A_21, %dma_start3A] : memref<10240x128xf32, #tpu.memory_space<hbm>> -> memref<640x128xf32, #tpu.memory_space<hbm>>
        %dma_start3A_23 = arith.constant 0 : i32
        %dma_start3A_24 = tpu.memref_slice %arg12[%mul3A_19, %dma_start3A_23] : memref<10240x128xf32, #tpu.memory_space<vmem_shared>> -> memref<640x128xf32, #tpu.memory_space<vmem_shared>>
        tpu.enqueue_dma source(%dma_start3A_24 : memref<640x128xf32, #tpu.memory_space<vmem_shared>>) target(%dma_start3A_22 : memref<640x128xf32, #tpu.memory_space<hbm>>) target_semaphore(%run_scoped3A : memref<!tpu.dma_semaphore, #tpu.memory_space<semaphore_mem>>)
        %dma_wait3A = arith.constant 0 : i32
        %dma_wait3A_25 = tpu.memref_slice %arg7[%mul3A_21, %dma_wait3A] : memref<10240x128xf32, #tpu.memory_space<hbm>> -> memref<640x128xf32, #tpu.memory_space<hbm>>
        %dma_wait3A_26 = arith.constant 0 : i32
        %dma_wait3A_27 = tpu.memref_slice %arg12[%mul3A_19, %dma_wait3A_26] : memref<10240x128xf32, #tpu.memory_space<vmem_shared>> -> memref<640x128xf32, #tpu.memory_space<vmem_shared>>
        tpu.wait_dma2 semaphore(%run_scoped3A : memref<!tpu.dma_semaphore, #tpu.memory_space<semaphore_mem>>) src(%dma_wait3A_27 : memref<640x128xf32, #tpu.memory_space<vmem_shared>>) dst(%dma_wait3A_25 : memref<640x128xf32, #tpu.memory_space<hbm>>)
        tpu.yield
      }) : () -> ()
    } else {
    }
    return
  }
}

#map = affine_map<(d0, d1) -> (0, 0)>
module attributes {stable_mosaic.version = 14 : i64} {
  func.func @body(%arg0: i32, %arg1: i32, %arg2: memref<10000x128xf32, #tpu.memory_space<hbm>>, %arg3: memref<10000x128xf32, #tpu.memory_space<hbm>>, %arg4: memref<2560x128xi32, #tpu.memory_space<hbm>>, %arg5: memref<2560x128xi32, #tpu.memory_space<hbm>>, %arg6: memref<640x128xf32, #tpu.memory_space<hbm>>, %arg7: memref<10240x128xf32, #tpu.memory_space<hbm>>, %arg8: memref<10240x128xf32, #tpu.memory_space<hbm>>, %arg9: memref<40x128xi32, #tpu.memory_space<vmem>>, %arg10: memref<40x128xi32, #tpu.memory_space<vmem>>, %arg11: memref<128x128xf32, #tpu.memory_space<vmem>>, %arg12: memref<128x128xf32, #tpu.memory_space<vmem>>, %arg13: memref<10240x128xf32, #tpu.memory_space<vmem_shared>>, %arg14: memref<!tpu.dma_semaphore, #tpu.memory_space<semaphore_mem>>, %arg15: memref<!tpu.dma_semaphore, #tpu.memory_space<semaphore_mem>>) attributes {dimension_semantics = [#tpu.dimension_semantics<core_parallel>, #tpu.dimension_semantics<subcore_parallel>], iteration_bounds = array<i64: 2, 16>, scalar_prefetch = 0 : i64, scratch_operands = 7 : i64, tpu.core_type = #tpu.core_type<sc_vector_subcore>, window_params = [{transform_indices = #map}, {transform_indices = #map}, {transform_indices = #map}, {transform_indices = #map}, {transform_indices = #map}, {transform_indices = #map}, {transform_indices = #map}]} {
    %mul3A = arith.constant 640 : i32
    %mul3A_0 = arith.muli %arg1, %mul3A : i32
    "tpu.region"() ({
      %run_scoped3A = tpu.sem_alloc : memref<!tpu.dma_semaphore, #tpu.memory_space<semaphore_mem>>
      %dma_start3A = arith.constant 0 : i32
      %dma_start3A_19 = tpu.memref_slice %arg13[%mul3A_0, %dma_start3A] : memref<10240x128xf32, #tpu.memory_space<vmem_shared>> -> memref<640x128xf32, #tpu.memory_space<vmem_shared>>
      tpu.enqueue_dma source(%arg6 : memref<640x128xf32, #tpu.memory_space<hbm>>) target(%dma_start3A_19 : memref<640x128xf32, #tpu.memory_space<vmem_shared>>) target_semaphore(%run_scoped3A : memref<!tpu.dma_semaphore, #tpu.memory_space<semaphore_mem>>)
      %dma_wait3A = arith.constant 0 : i32
      %dma_wait3A_20 = tpu.memref_slice %arg13[%mul3A_0, %dma_wait3A] : memref<10240x128xf32, #tpu.memory_space<vmem_shared>> -> memref<640x128xf32, #tpu.memory_space<vmem_shared>>
      tpu.wait_dma2 semaphore(%run_scoped3A : memref<!tpu.dma_semaphore, #tpu.memory_space<semaphore_mem>>) src(%arg6 : memref<640x128xf32, #tpu.memory_space<hbm>>) dst(%dma_wait3A_20 : memref<640x128xf32, #tpu.memory_space<vmem_shared>>)
      tpu.yield
    }) : () -> ()
    %barrier3A = arith.constant 0 : index
    tpu.barrier barrier_id(%barrier3A)
    %eq3A = arith.constant 0 : i32
    %eq3A_1 = arith.cmpi eq, %arg0, %eq3A : i32
    %convert_element_type3A = arith.extui %eq3A_1 : i1 to i32
    %cond3A = arith.constant 0 : i32
    %cond3A_2 = arith.cmpi ne, %convert_element_type3A, %cond3A : i32
    scf.if %cond3A_2 {
      %mul3A_19 = arith.constant 160 : i32
      %mul3A_20 = arith.muli %arg1, %mul3A_19 : i32
      %scan3A = arith.constant 0 : i32
      %scan3A_21 = arith.constant 0 : i32
      %scan3A_22 = arith.constant 4 : i32
      %scan3A_23 = arith.addi %scan3A_21, %scan3A_22 : i32
      %scan3A_24 = arith.constant 1 : i32
      scf.for %scan3A_26 = %scan3A_21 to %scan3A_23 step %scan3A_24  : i32 {
        %mul3A_27 = arith.constant 40 : i32
        %mul3A_28 = arith.muli %scan3A_26, %mul3A_27 : i32
        %add3A = arith.addi %mul3A_20, %mul3A_28 : i32
        "tpu.region"() ({
          %run_scoped3A = tpu.sem_alloc : memref<!tpu.dma_semaphore, #tpu.memory_space<semaphore_mem>>
          %dma_start3A_41 = arith.constant 0 : i32
          %dma_start3A_42 = tpu.memref_slice %arg4[%add3A, %dma_start3A_41] : memref<2560x128xi32, #tpu.memory_space<hbm>> -> memref<40x128xi32, #tpu.memory_space<hbm>>
          %dma_start3A_43 = arith.constant 0 : i32
          %dma_start3A_44 = tpu.memref_slice %arg4[%add3A, %dma_start3A_43] : memref<2560x128xi32, #tpu.memory_space<hbm>> -> memref<40x128xi32, #tpu.memory_space<hbm>>
          tpu.enqueue_dma source(%dma_start3A_44 : memref<40x128xi32, #tpu.memory_space<hbm>>) target(%arg9 : memref<40x128xi32, #tpu.memory_space<vmem>>) target_semaphore(%run_scoped3A : memref<!tpu.dma_semaphore, #tpu.memory_space<semaphore_mem>>)
          %dma_wait3A = arith.constant 0 : i32
          %dma_wait3A_45 = tpu.memref_slice %arg4[%add3A, %dma_wait3A] : memref<2560x128xi32, #tpu.memory_space<hbm>> -> memref<40x128xi32, #tpu.memory_space<hbm>>
          %dma_wait3A_46 = arith.constant 0 : i32
          %dma_wait3A_47 = tpu.memref_slice %arg4[%add3A, %dma_wait3A_46] : memref<2560x128xi32, #tpu.memory_space<hbm>> -> memref<40x128xi32, #tpu.memory_space<hbm>>
          tpu.wait_dma2 semaphore(%run_scoped3A : memref<!tpu.dma_semaphore, #tpu.memory_space<semaphore_mem>>) src(%dma_wait3A_47 : memref<40x128xi32, #tpu.memory_space<hbm>>) dst(%arg9 : memref<40x128xi32, #tpu.memory_space<vmem>>)
          tpu.yield
        }) : () -> ()
        "tpu.region"() ({
          %run_scoped3A = tpu.sem_alloc : memref<!tpu.dma_semaphore, #tpu.memory_space<semaphore_mem>>
          %dma_start3A_41 = arith.constant 0 : i32
          %dma_start3A_42 = tpu.memref_slice %arg5[%add3A, %dma_start3A_41] : memref<2560x128xi32, #tpu.memory_space<hbm>> -> memref<40x128xi32, #tpu.memory_space<hbm>>
          %dma_start3A_43 = arith.constant 0 : i32
          %dma_start3A_44 = tpu.memref_slice %arg5[%add3A, %dma_start3A_43] : memref<2560x128xi32, #tpu.memory_space<hbm>> -> memref<40x128xi32, #tpu.memory_space<hbm>>
          tpu.enqueue_dma source(%dma_start3A_44 : memref<40x128xi32, #tpu.memory_space<hbm>>) target(%arg10 : memref<40x128xi32, #tpu.memory_space<vmem>>) target_semaphore(%run_scoped3A : memref<!tpu.dma_semaphore, #tpu.memory_space<semaphore_mem>>)
          %dma_wait3A = arith.constant 0 : i32
          %dma_wait3A_45 = tpu.memref_slice %arg5[%add3A, %dma_wait3A] : memref<2560x128xi32, #tpu.memory_space<hbm>> -> memref<40x128xi32, #tpu.memory_space<hbm>>
          %dma_wait3A_46 = arith.constant 0 : i32
          %dma_wait3A_47 = tpu.memref_slice %arg5[%add3A, %dma_wait3A_46] : memref<2560x128xi32, #tpu.memory_space<hbm>> -> memref<40x128xi32, #tpu.memory_space<hbm>>
          tpu.wait_dma2 semaphore(%run_scoped3A : memref<!tpu.dma_semaphore, #tpu.memory_space<semaphore_mem>>) src(%dma_wait3A_47 : memref<40x128xi32, #tpu.memory_space<hbm>>) dst(%arg10 : memref<40x128xi32, #tpu.memory_space<vmem>>)
          tpu.yield
        }) : () -> ()
        %dma_start3A = arith.constant 0 : i32
        %dma_start3A_29 = arith.constant 0 : i32
        %dma_start3A_30 = tpu.memref_slice %arg9[%dma_start3A, %dma_start3A_29] : memref<40x128xi32, #tpu.memory_space<vmem>> -> memref<1x128xi32, #tpu.memory_space<vmem>>
        %dma_start3A_31 = tpu.memref_squeeze %dma_start3A_30 : memref<1x128xi32, #tpu.memory_space<vmem>> -> memref<128xi32, #tpu.memory_space<vmem>>
        %dma_start3A_32 = arith.constant 0 : i32
        %dma_start3A_33 = arith.constant 0 : i32
        %dma_start3A_34 = tpu.memref_slice %arg2[%dma_start3A_32, %dma_start3A_33] : memref<10000x128xf32, #tpu.memory_space<hbm>> -> memref<10000x128xf32, #tpu.memory_space<hbm>>
        tpu.enqueue_indirect_dma source(%dma_start3A_34 : memref<10000x128xf32, #tpu.memory_space<hbm>>) target(%arg11 : memref<128x128xf32, #tpu.memory_space<vmem>>) offsets(%dma_start3A_31 : memref<128xi32, #tpu.memory_space<vmem>>) semaphore(%arg14 : memref<!tpu.dma_semaphore, #tpu.memory_space<semaphore_mem>>)
        %scan3A_35 = arith.constant 0 : i32
        %scan3A_36 = arith.constant 0 : i32
        %scan3A_37 = arith.constant 20 : i32
        %scan3A_38 = arith.addi %scan3A_36, %scan3A_37 : i32
        %scan3A_39 = arith.constant 1 : i32
        scf.for %scan3A_41 = %scan3A_36 to %scan3A_38 step %scan3A_39  : i32 {
          %mul3A_42 = arith.constant 2 : i32
          %mul3A_43 = arith.muli %mul3A_42, %scan3A_41 : i32
          %add3A_44 = arith.constant 1 : i32
          %add3A_45 = arith.addi %mul3A_43, %add3A_44 : i32
          %dma_start3A_46 = arith.constant 0 : i32
          %dma_start3A_47 = tpu.memref_slice %arg9[%add3A_45, %dma_start3A_46] : memref<40x128xi32, #tpu.memory_space<vmem>> -> memref<1x128xi32, #tpu.memory_space<vmem>>
          %dma_start3A_48 = tpu.memref_squeeze %dma_start3A_47 : memref<1x128xi32, #tpu.memory_space<vmem>> -> memref<128xi32, #tpu.memory_space<vmem>>
          %dma_start3A_49 = arith.constant 0 : i32
          %dma_start3A_50 = arith.constant 0 : i32
          %dma_start3A_51 = tpu.memref_slice %arg2[%dma_start3A_49, %dma_start3A_50] : memref<10000x128xf32, #tpu.memory_space<hbm>> -> memref<10000x128xf32, #tpu.memory_space<hbm>>
          tpu.enqueue_indirect_dma source(%dma_start3A_51 : memref<10000x128xf32, #tpu.memory_space<hbm>>) target(%arg12 : memref<128x128xf32, #tpu.memory_space<vmem>>) offsets(%dma_start3A_48 : memref<128xi32, #tpu.memory_space<vmem>>) semaphore(%arg15 : memref<!tpu.dma_semaphore, #tpu.memory_space<semaphore_mem>>)
          %dma_wait3A = arith.constant 0 : i32
          %dma_wait3A_52 = tpu.memref_slice %arg9[%mul3A_43, %dma_wait3A] : memref<40x128xi32, #tpu.memory_space<vmem>> -> memref<1x128xi32, #tpu.memory_space<vmem>>
          %dma_wait3A_53 = tpu.memref_squeeze %dma_wait3A_52 : memref<1x128xi32, #tpu.memory_space<vmem>> -> memref<128xi32, #tpu.memory_space<vmem>>
          %dma_wait3A_54 = arith.constant 0 : i32
          %dma_wait3A_55 = arith.constant 0 : i32
          %dma_wait3A_56 = tpu.memref_slice %arg2[%dma_wait3A_54, %dma_wait3A_55] : memref<10000x128xf32, #tpu.memory_space<hbm>> -> memref<10000x128xf32, #tpu.memory_space<hbm>>
          tpu.wait_indirect_dma semaphore(%arg14 : memref<!tpu.dma_semaphore, #tpu.memory_space<semaphore_mem>>) src(%dma_wait3A_56 : memref<10000x128xf32, #tpu.memory_space<hbm>>) dst(%arg11 : memref<128x128xf32, #tpu.memory_space<vmem>>)
          "tpu.region"() ({
            %run_scoped3A = tpu.sem_alloc : memref<!tpu.dma_semaphore, #tpu.memory_space<semaphore_mem>>
            %dma_start3A_73 = arith.constant 0 : i32
            %dma_start3A_74 = tpu.memref_slice %arg10[%mul3A_43, %dma_start3A_73] : memref<40x128xi32, #tpu.memory_space<vmem>> -> memref<1x128xi32, #tpu.memory_space<vmem>>
            %dma_start3A_75 = tpu.memref_squeeze %dma_start3A_74 : memref<1x128xi32, #tpu.memory_space<vmem>> -> memref<128xi32, #tpu.memory_space<vmem>>
            %dma_start3A_76 = arith.constant 0 : i32
            %dma_start3A_77 = arith.constant 0 : i32
            %dma_start3A_78 = tpu.memref_slice %arg13[%dma_start3A_76, %dma_start3A_77] : memref<10240x128xf32, #tpu.memory_space<vmem_shared>> -> memref<10240x128xf32, #tpu.memory_space<vmem_shared>>
            tpu.enqueue_indirect_dma source(%arg11 : memref<128x128xf32, #tpu.memory_space<vmem>>) target(%dma_start3A_78 : memref<10240x128xf32, #tpu.memory_space<vmem_shared>>) offsets(%dma_start3A_75 : memref<128xi32, #tpu.memory_space<vmem>>) semaphore(%run_scoped3A : memref<!tpu.dma_semaphore, #tpu.memory_space<semaphore_mem>>) {add = true}
            %dma_wait3A_79 = arith.constant 0 : i32
            %dma_wait3A_80 = tpu.memref_slice %arg10[%mul3A_43, %dma_wait3A_79] : memref<40x128xi32, #tpu.memory_space<vmem>> -> memref<1x128xi32, #tpu.memory_space<vmem>>
            %dma_wait3A_81 = tpu.memref_squeeze %dma_wait3A_80 : memref<1x128xi32, #tpu.memory_space<vmem>> -> memref<128xi32, #tpu.memory_space<vmem>>
            %dma_wait3A_82 = arith.constant 0 : i32
            %dma_wait3A_83 = arith.constant 0 : i32
            %dma_wait3A_84 = tpu.memref_slice %arg13[%dma_wait3A_82, %dma_wait3A_83] : memref<10240x128xf32, #tpu.memory_space<vmem_shared>> -> memref<10240x128xf32, #tpu.memory_space<vmem_shared>>
            tpu.wait_indirect_dma semaphore(%run_scoped3A : memref<!tpu.dma_semaphore, #tpu.memory_space<semaphore_mem>>) src(%arg11 : memref<128x128xf32, #tpu.memory_space<vmem>>) dst(%dma_wait3A_84 : memref<10240x128xf32, #tpu.memory_space<vmem_shared>>)
            tpu.yield
          }) : () -> ()
          %add3A_57 = arith.constant 2 : i32
          %add3A_58 = arith.addi %mul3A_43, %add3A_57 : i32
          %lt3A = arith.constant 40 : i32
          %lt3A_59 = arith.cmpi slt, %add3A_58, %lt3A : i32
          %convert_element_type3A_60 = arith.extui %lt3A_59 : i1 to i32
          %cond3A_61 = arith.constant 0 : i32
          %cond3A_62 = arith.cmpi ne, %convert_element_type3A_60, %cond3A_61 : i32
          scf.if %cond3A_62 {
            %add3A_73 = arith.constant 2 : i32
            %add3A_74 = arith.addi %mul3A_43, %add3A_73 : i32
            %dma_start3A_75 = arith.constant 0 : i32
            %dma_start3A_76 = tpu.memref_slice %arg9[%add3A_74, %dma_start3A_75] : memref<40x128xi32, #tpu.memory_space<vmem>> -> memref<1x128xi32, #tpu.memory_space<vmem>>
            %dma_start3A_77 = tpu.memref_squeeze %dma_start3A_76 : memref<1x128xi32, #tpu.memory_space<vmem>> -> memref<128xi32, #tpu.memory_space<vmem>>
            %dma_start3A_78 = arith.constant 0 : i32
            %dma_start3A_79 = arith.constant 0 : i32
            %dma_start3A_80 = tpu.memref_slice %arg2[%dma_start3A_78, %dma_start3A_79] : memref<10000x128xf32, #tpu.memory_space<hbm>> -> memref<10000x128xf32, #tpu.memory_space<hbm>>
            tpu.enqueue_indirect_dma source(%dma_start3A_80 : memref<10000x128xf32, #tpu.memory_space<hbm>>) target(%arg11 : memref<128x128xf32, #tpu.memory_space<vmem>>) offsets(%dma_start3A_77 : memref<128xi32, #tpu.memory_space<vmem>>) semaphore(%arg14 : memref<!tpu.dma_semaphore, #tpu.memory_space<semaphore_mem>>)
          } else {
          }
          %add3A_63 = arith.constant 1 : i32
          %add3A_64 = arith.addi %mul3A_43, %add3A_63 : i32
          %dma_wait3A_65 = arith.constant 0 : i32
          %dma_wait3A_66 = tpu.memref_slice %arg9[%add3A_64, %dma_wait3A_65] : memref<40x128xi32, #tpu.memory_space<vmem>> -> memref<1x128xi32, #tpu.memory_space<vmem>>
          %dma_wait3A_67 = tpu.memref_squeeze %dma_wait3A_66 : memref<1x128xi32, #tpu.memory_space<vmem>> -> memref<128xi32, #tpu.memory_space<vmem>>
          %dma_wait3A_68 = arith.constant 0 : i32
          %dma_wait3A_69 = arith.constant 0 : i32
          %dma_wait3A_70 = tpu.memref_slice %arg2[%dma_wait3A_68, %dma_wait3A_69] : memref<10000x128xf32, #tpu.memory_space<hbm>> -> memref<10000x128xf32, #tpu.memory_space<hbm>>
          tpu.wait_indirect_dma semaphore(%arg15 : memref<!tpu.dma_semaphore, #tpu.memory_space<semaphore_mem>>) src(%dma_wait3A_70 : memref<10000x128xf32, #tpu.memory_space<hbm>>) dst(%arg12 : memref<128x128xf32, #tpu.memory_space<vmem>>)
          %add3A_71 = arith.constant 1 : i32
          %add3A_72 = arith.addi %mul3A_43, %add3A_71 : i32
          "tpu.region"() ({
            %run_scoped3A = tpu.sem_alloc : memref<!tpu.dma_semaphore, #tpu.memory_space<semaphore_mem>>
            %dma_start3A_73 = arith.constant 0 : i32
            %dma_start3A_74 = tpu.memref_slice %arg10[%add3A_72, %dma_start3A_73] : memref<40x128xi32, #tpu.memory_space<vmem>> -> memref<1x128xi32, #tpu.memory_space<vmem>>
            %dma_start3A_75 = tpu.memref_squeeze %dma_start3A_74 : memref<1x128xi32, #tpu.memory_space<vmem>> -> memref<128xi32, #tpu.memory_space<vmem>>
            %dma_start3A_76 = arith.constant 0 : i32
            %dma_start3A_77 = arith.constant 0 : i32
            %dma_start3A_78 = tpu.memref_slice %arg13[%dma_start3A_76, %dma_start3A_77] : memref<10240x128xf32, #tpu.memory_space<vmem_shared>> -> memref<10240x128xf32, #tpu.memory_space<vmem_shared>>
            tpu.enqueue_indirect_dma source(%arg12 : memref<128x128xf32, #tpu.memory_space<vmem>>) target(%dma_start3A_78 : memref<10240x128xf32, #tpu.memory_space<vmem_shared>>) offsets(%dma_start3A_75 : memref<128xi32, #tpu.memory_space<vmem>>) semaphore(%run_scoped3A : memref<!tpu.dma_semaphore, #tpu.memory_space<semaphore_mem>>) {add = true}
            %dma_wait3A_79 = arith.constant 0 : i32
            %dma_wait3A_80 = tpu.memref_slice %arg10[%add3A_72, %dma_wait3A_79] : memref<40x128xi32, #tpu.memory_space<vmem>> -> memref<1x128xi32, #tpu.memory_space<vmem>>
            %dma_wait3A_81 = tpu.memref_squeeze %dma_wait3A_80 : memref<1x128xi32, #tpu.memory_space<vmem>> -> memref<128xi32, #tpu.memory_space<vmem>>
            %dma_wait3A_82 = arith.constant 0 : i32
            %dma_wait3A_83 = arith.constant 0 : i32
            %dma_wait3A_84 = tpu.memref_slice %arg13[%dma_wait3A_82, %dma_wait3A_83] : memref<10240x128xf32, #tpu.memory_space<vmem_shared>> -> memref<10240x128xf32, #tpu.memory_space<vmem_shared>>
            tpu.wait_indirect_dma semaphore(%run_scoped3A : memref<!tpu.dma_semaphore, #tpu.memory_space<semaphore_mem>>) src(%arg12 : memref<128x128xf32, #tpu.memory_space<vmem>>) dst(%dma_wait3A_84 : memref<10240x128xf32, #tpu.memory_space<vmem_shared>>)
            tpu.yield
          }) : () -> ()
        }
        %scan3A_40 = arith.constant 20 : i32
      }
      %scan3A_25 = arith.constant 4 : i32
    } else {
    }
    %eq3A_3 = arith.constant 1 : i32
    %eq3A_4 = arith.cmpi eq, %arg0, %eq3A_3 : i32
    %convert_element_type3A_5 = arith.extui %eq3A_4 : i1 to i32
    %cond3A_6 = arith.constant 0 : i32
    %cond3A_7 = arith.cmpi ne, %convert_element_type3A_5, %cond3A_6 : i32
    scf.if %cond3A_7 {
      %mul3A_19 = arith.constant 160 : i32
      %mul3A_20 = arith.muli %arg1, %mul3A_19 : i32
      %scan3A = arith.constant 0 : i32
      %scan3A_21 = arith.constant 0 : i32
      %scan3A_22 = arith.constant 4 : i32
      %scan3A_23 = arith.addi %scan3A_21, %scan3A_22 : i32
      %scan3A_24 = arith.constant 1 : i32
      scf.for %scan3A_26 = %scan3A_21 to %scan3A_23 step %scan3A_24  : i32 {
        %mul3A_27 = arith.constant 40 : i32
        %mul3A_28 = arith.muli %scan3A_26, %mul3A_27 : i32
        %add3A = arith.addi %mul3A_20, %mul3A_28 : i32
        "tpu.region"() ({
          %run_scoped3A = tpu.sem_alloc : memref<!tpu.dma_semaphore, #tpu.memory_space<semaphore_mem>>
          %dma_start3A_41 = arith.constant 0 : i32
          %dma_start3A_42 = tpu.memref_slice %arg4[%add3A, %dma_start3A_41] : memref<2560x128xi32, #tpu.memory_space<hbm>> -> memref<40x128xi32, #tpu.memory_space<hbm>>
          %dma_start3A_43 = arith.constant 0 : i32
          %dma_start3A_44 = tpu.memref_slice %arg4[%add3A, %dma_start3A_43] : memref<2560x128xi32, #tpu.memory_space<hbm>> -> memref<40x128xi32, #tpu.memory_space<hbm>>
          tpu.enqueue_dma source(%dma_start3A_44 : memref<40x128xi32, #tpu.memory_space<hbm>>) target(%arg9 : memref<40x128xi32, #tpu.memory_space<vmem>>) target_semaphore(%run_scoped3A : memref<!tpu.dma_semaphore, #tpu.memory_space<semaphore_mem>>)
          %dma_wait3A = arith.constant 0 : i32
          %dma_wait3A_45 = tpu.memref_slice %arg4[%add3A, %dma_wait3A] : memref<2560x128xi32, #tpu.memory_space<hbm>> -> memref<40x128xi32, #tpu.memory_space<hbm>>
          %dma_wait3A_46 = arith.constant 0 : i32
          %dma_wait3A_47 = tpu.memref_slice %arg4[%add3A, %dma_wait3A_46] : memref<2560x128xi32, #tpu.memory_space<hbm>> -> memref<40x128xi32, #tpu.memory_space<hbm>>
          tpu.wait_dma2 semaphore(%run_scoped3A : memref<!tpu.dma_semaphore, #tpu.memory_space<semaphore_mem>>) src(%dma_wait3A_47 : memref<40x128xi32, #tpu.memory_space<hbm>>) dst(%arg9 : memref<40x128xi32, #tpu.memory_space<vmem>>)
          tpu.yield
        }) : () -> ()
        "tpu.region"() ({
          %run_scoped3A = tpu.sem_alloc : memref<!tpu.dma_semaphore, #tpu.memory_space<semaphore_mem>>
          %dma_start3A_41 = arith.constant 0 : i32
          %dma_start3A_42 = tpu.memref_slice %arg5[%add3A, %dma_start3A_41] : memref<2560x128xi32, #tpu.memory_space<hbm>> -> memref<40x128xi32, #tpu.memory_space<hbm>>
          %dma_start3A_43 = arith.constant 0 : i32
          %dma_start3A_44 = tpu.memref_slice %arg5[%add3A, %dma_start3A_43] : memref<2560x128xi32, #tpu.memory_space<hbm>> -> memref<40x128xi32, #tpu.memory_space<hbm>>
          tpu.enqueue_dma source(%dma_start3A_44 : memref<40x128xi32, #tpu.memory_space<hbm>>) target(%arg10 : memref<40x128xi32, #tpu.memory_space<vmem>>) target_semaphore(%run_scoped3A : memref<!tpu.dma_semaphore, #tpu.memory_space<semaphore_mem>>)
          %dma_wait3A = arith.constant 0 : i32
          %dma_wait3A_45 = tpu.memref_slice %arg5[%add3A, %dma_wait3A] : memref<2560x128xi32, #tpu.memory_space<hbm>> -> memref<40x128xi32, #tpu.memory_space<hbm>>
          %dma_wait3A_46 = arith.constant 0 : i32
          %dma_wait3A_47 = tpu.memref_slice %arg5[%add3A, %dma_wait3A_46] : memref<2560x128xi32, #tpu.memory_space<hbm>> -> memref<40x128xi32, #tpu.memory_space<hbm>>
          tpu.wait_dma2 semaphore(%run_scoped3A : memref<!tpu.dma_semaphore, #tpu.memory_space<semaphore_mem>>) src(%dma_wait3A_47 : memref<40x128xi32, #tpu.memory_space<hbm>>) dst(%arg10 : memref<40x128xi32, #tpu.memory_space<vmem>>)
          tpu.yield
        }) : () -> ()
        %dma_start3A = arith.constant 0 : i32
        %dma_start3A_29 = arith.constant 0 : i32
        %dma_start3A_30 = tpu.memref_slice %arg9[%dma_start3A, %dma_start3A_29] : memref<40x128xi32, #tpu.memory_space<vmem>> -> memref<1x128xi32, #tpu.memory_space<vmem>>
        %dma_start3A_31 = tpu.memref_squeeze %dma_start3A_30 : memref<1x128xi32, #tpu.memory_space<vmem>> -> memref<128xi32, #tpu.memory_space<vmem>>
        %dma_start3A_32 = arith.constant 0 : i32
        %dma_start3A_33 = arith.constant 0 : i32
        %dma_start3A_34 = tpu.memref_slice %arg3[%dma_start3A_32, %dma_start3A_33] : memref<10000x128xf32, #tpu.memory_space<hbm>> -> memref<10000x128xf32, #tpu.memory_space<hbm>>
        tpu.enqueue_indirect_dma source(%dma_start3A_34 : memref<10000x128xf32, #tpu.memory_space<hbm>>) target(%arg11 : memref<128x128xf32, #tpu.memory_space<vmem>>) offsets(%dma_start3A_31 : memref<128xi32, #tpu.memory_space<vmem>>) semaphore(%arg14 : memref<!tpu.dma_semaphore, #tpu.memory_space<semaphore_mem>>)
        %scan3A_35 = arith.constant 0 : i32
        %scan3A_36 = arith.constant 0 : i32
        %scan3A_37 = arith.constant 20 : i32
        %scan3A_38 = arith.addi %scan3A_36, %scan3A_37 : i32
        %scan3A_39 = arith.constant 1 : i32
        scf.for %scan3A_41 = %scan3A_36 to %scan3A_38 step %scan3A_39  : i32 {
          %mul3A_42 = arith.constant 2 : i32
          %mul3A_43 = arith.muli %mul3A_42, %scan3A_41 : i32
          %add3A_44 = arith.constant 1 : i32
          %add3A_45 = arith.addi %mul3A_43, %add3A_44 : i32
          %dma_start3A_46 = arith.constant 0 : i32
          %dma_start3A_47 = tpu.memref_slice %arg9[%add3A_45, %dma_start3A_46] : memref<40x128xi32, #tpu.memory_space<vmem>> -> memref<1x128xi32, #tpu.memory_space<vmem>>
          %dma_start3A_48 = tpu.memref_squeeze %dma_start3A_47 : memref<1x128xi32, #tpu.memory_space<vmem>> -> memref<128xi32, #tpu.memory_space<vmem>>
          %dma_start3A_49 = arith.constant 0 : i32
          %dma_start3A_50 = arith.constant 0 : i32
          %dma_start3A_51 = tpu.memref_slice %arg3[%dma_start3A_49, %dma_start3A_50] : memref<10000x128xf32, #tpu.memory_space<hbm>> -> memref<10000x128xf32, #tpu.memory_space<hbm>>
          tpu.enqueue_indirect_dma source(%dma_start3A_51 : memref<10000x128xf32, #tpu.memory_space<hbm>>) target(%arg12 : memref<128x128xf32, #tpu.memory_space<vmem>>) offsets(%dma_start3A_48 : memref<128xi32, #tpu.memory_space<vmem>>) semaphore(%arg15 : memref<!tpu.dma_semaphore, #tpu.memory_space<semaphore_mem>>)
          %dma_wait3A = arith.constant 0 : i32
          %dma_wait3A_52 = tpu.memref_slice %arg9[%mul3A_43, %dma_wait3A] : memref<40x128xi32, #tpu.memory_space<vmem>> -> memref<1x128xi32, #tpu.memory_space<vmem>>
          %dma_wait3A_53 = tpu.memref_squeeze %dma_wait3A_52 : memref<1x128xi32, #tpu.memory_space<vmem>> -> memref<128xi32, #tpu.memory_space<vmem>>
          %dma_wait3A_54 = arith.constant 0 : i32
          %dma_wait3A_55 = arith.constant 0 : i32
          %dma_wait3A_56 = tpu.memref_slice %arg3[%dma_wait3A_54, %dma_wait3A_55] : memref<10000x128xf32, #tpu.memory_space<hbm>> -> memref<10000x128xf32, #tpu.memory_space<hbm>>
          tpu.wait_indirect_dma semaphore(%arg14 : memref<!tpu.dma_semaphore, #tpu.memory_space<semaphore_mem>>) src(%dma_wait3A_56 : memref<10000x128xf32, #tpu.memory_space<hbm>>) dst(%arg11 : memref<128x128xf32, #tpu.memory_space<vmem>>)
          "tpu.region"() ({
            %run_scoped3A = tpu.sem_alloc : memref<!tpu.dma_semaphore, #tpu.memory_space<semaphore_mem>>
            %dma_start3A_73 = arith.constant 0 : i32
            %dma_start3A_74 = tpu.memref_slice %arg10[%mul3A_43, %dma_start3A_73] : memref<40x128xi32, #tpu.memory_space<vmem>> -> memref<1x128xi32, #tpu.memory_space<vmem>>
            %dma_start3A_75 = tpu.memref_squeeze %dma_start3A_74 : memref<1x128xi32, #tpu.memory_space<vmem>> -> memref<128xi32, #tpu.memory_space<vmem>>
            %dma_start3A_76 = arith.constant 0 : i32
            %dma_start3A_77 = arith.constant 0 : i32
            %dma_start3A_78 = tpu.memref_slice %arg13[%dma_start3A_76, %dma_start3A_77] : memref<10240x128xf32, #tpu.memory_space<vmem_shared>> -> memref<10240x128xf32, #tpu.memory_space<vmem_shared>>
            tpu.enqueue_indirect_dma source(%arg11 : memref<128x128xf32, #tpu.memory_space<vmem>>) target(%dma_start3A_78 : memref<10240x128xf32, #tpu.memory_space<vmem_shared>>) offsets(%dma_start3A_75 : memref<128xi32, #tpu.memory_space<vmem>>) semaphore(%run_scoped3A : memref<!tpu.dma_semaphore, #tpu.memory_space<semaphore_mem>>) {add = true}
            %dma_wait3A_79 = arith.constant 0 : i32
            %dma_wait3A_80 = tpu.memref_slice %arg10[%mul3A_43, %dma_wait3A_79] : memref<40x128xi32, #tpu.memory_space<vmem>> -> memref<1x128xi32, #tpu.memory_space<vmem>>
            %dma_wait3A_81 = tpu.memref_squeeze %dma_wait3A_80 : memref<1x128xi32, #tpu.memory_space<vmem>> -> memref<128xi32, #tpu.memory_space<vmem>>
            %dma_wait3A_82 = arith.constant 0 : i32
            %dma_wait3A_83 = arith.constant 0 : i32
            %dma_wait3A_84 = tpu.memref_slice %arg13[%dma_wait3A_82, %dma_wait3A_83] : memref<10240x128xf32, #tpu.memory_space<vmem_shared>> -> memref<10240x128xf32, #tpu.memory_space<vmem_shared>>
            tpu.wait_indirect_dma semaphore(%run_scoped3A : memref<!tpu.dma_semaphore, #tpu.memory_space<semaphore_mem>>) src(%arg11 : memref<128x128xf32, #tpu.memory_space<vmem>>) dst(%dma_wait3A_84 : memref<10240x128xf32, #tpu.memory_space<vmem_shared>>)
            tpu.yield
          }) : () -> ()
          %add3A_57 = arith.constant 2 : i32
          %add3A_58 = arith.addi %mul3A_43, %add3A_57 : i32
          %lt3A = arith.constant 40 : i32
          %lt3A_59 = arith.cmpi slt, %add3A_58, %lt3A : i32
          %convert_element_type3A_60 = arith.extui %lt3A_59 : i1 to i32
          %cond3A_61 = arith.constant 0 : i32
          %cond3A_62 = arith.cmpi ne, %convert_element_type3A_60, %cond3A_61 : i32
          scf.if %cond3A_62 {
            %add3A_73 = arith.constant 2 : i32
            %add3A_74 = arith.addi %mul3A_43, %add3A_73 : i32
            %dma_start3A_75 = arith.constant 0 : i32
            %dma_start3A_76 = tpu.memref_slice %arg9[%add3A_74, %dma_start3A_75] : memref<40x128xi32, #tpu.memory_space<vmem>> -> memref<1x128xi32, #tpu.memory_space<vmem>>
            %dma_start3A_77 = tpu.memref_squeeze %dma_start3A_76 : memref<1x128xi32, #tpu.memory_space<vmem>> -> memref<128xi32, #tpu.memory_space<vmem>>
            %dma_start3A_78 = arith.constant 0 : i32
            %dma_start3A_79 = arith.constant 0 : i32
            %dma_start3A_80 = tpu.memref_slice %arg3[%dma_start3A_78, %dma_start3A_79] : memref<10000x128xf32, #tpu.memory_space<hbm>> -> memref<10000x128xf32, #tpu.memory_space<hbm>>
            tpu.enqueue_indirect_dma source(%dma_start3A_80 : memref<10000x128xf32, #tpu.memory_space<hbm>>) target(%arg11 : memref<128x128xf32, #tpu.memory_space<vmem>>) offsets(%dma_start3A_77 : memref<128xi32, #tpu.memory_space<vmem>>) semaphore(%arg14 : memref<!tpu.dma_semaphore, #tpu.memory_space<semaphore_mem>>)
          } else {
          }
          %add3A_63 = arith.constant 1 : i32
          %add3A_64 = arith.addi %mul3A_43, %add3A_63 : i32
          %dma_wait3A_65 = arith.constant 0 : i32
          %dma_wait3A_66 = tpu.memref_slice %arg9[%add3A_64, %dma_wait3A_65] : memref<40x128xi32, #tpu.memory_space<vmem>> -> memref<1x128xi32, #tpu.memory_space<vmem>>
          %dma_wait3A_67 = tpu.memref_squeeze %dma_wait3A_66 : memref<1x128xi32, #tpu.memory_space<vmem>> -> memref<128xi32, #tpu.memory_space<vmem>>
          %dma_wait3A_68 = arith.constant 0 : i32
          %dma_wait3A_69 = arith.constant 0 : i32
          %dma_wait3A_70 = tpu.memref_slice %arg3[%dma_wait3A_68, %dma_wait3A_69] : memref<10000x128xf32, #tpu.memory_space<hbm>> -> memref<10000x128xf32, #tpu.memory_space<hbm>>
          tpu.wait_indirect_dma semaphore(%arg15 : memref<!tpu.dma_semaphore, #tpu.memory_space<semaphore_mem>>) src(%dma_wait3A_70 : memref<10000x128xf32, #tpu.memory_space<hbm>>) dst(%arg12 : memref<128x128xf32, #tpu.memory_space<vmem>>)
          %add3A_71 = arith.constant 1 : i32
          %add3A_72 = arith.addi %mul3A_43, %add3A_71 : i32
          "tpu.region"() ({
            %run_scoped3A = tpu.sem_alloc : memref<!tpu.dma_semaphore, #tpu.memory_space<semaphore_mem>>
            %dma_start3A_73 = arith.constant 0 : i32
            %dma_start3A_74 = tpu.memref_slice %arg10[%add3A_72, %dma_start3A_73] : memref<40x128xi32, #tpu.memory_space<vmem>> -> memref<1x128xi32, #tpu.memory_space<vmem>>
            %dma_start3A_75 = tpu.memref_squeeze %dma_start3A_74 : memref<1x128xi32, #tpu.memory_space<vmem>> -> memref<128xi32, #tpu.memory_space<vmem>>
            %dma_start3A_76 = arith.constant 0 : i32
            %dma_start3A_77 = arith.constant 0 : i32
            %dma_start3A_78 = tpu.memref_slice %arg13[%dma_start3A_76, %dma_start3A_77] : memref<10240x128xf32, #tpu.memory_space<vmem_shared>> -> memref<10240x128xf32, #tpu.memory_space<vmem_shared>>
            tpu.enqueue_indirect_dma source(%arg12 : memref<128x128xf32, #tpu.memory_space<vmem>>) target(%dma_start3A_78 : memref<10240x128xf32, #tpu.memory_space<vmem_shared>>) offsets(%dma_start3A_75 : memref<128xi32, #tpu.memory_space<vmem>>) semaphore(%run_scoped3A : memref<!tpu.dma_semaphore, #tpu.memory_space<semaphore_mem>>) {add = true}
            %dma_wait3A_79 = arith.constant 0 : i32
            %dma_wait3A_80 = tpu.memref_slice %arg10[%add3A_72, %dma_wait3A_79] : memref<40x128xi32, #tpu.memory_space<vmem>> -> memref<1x128xi32, #tpu.memory_space<vmem>>
            %dma_wait3A_81 = tpu.memref_squeeze %dma_wait3A_80 : memref<1x128xi32, #tpu.memory_space<vmem>> -> memref<128xi32, #tpu.memory_space<vmem>>
            %dma_wait3A_82 = arith.constant 0 : i32
            %dma_wait3A_83 = arith.constant 0 : i32
            %dma_wait3A_84 = tpu.memref_slice %arg13[%dma_wait3A_82, %dma_wait3A_83] : memref<10240x128xf32, #tpu.memory_space<vmem_shared>> -> memref<10240x128xf32, #tpu.memory_space<vmem_shared>>
            tpu.wait_indirect_dma semaphore(%run_scoped3A : memref<!tpu.dma_semaphore, #tpu.memory_space<semaphore_mem>>) src(%arg12 : memref<128x128xf32, #tpu.memory_space<vmem>>) dst(%dma_wait3A_84 : memref<10240x128xf32, #tpu.memory_space<vmem_shared>>)
            tpu.yield
          }) : () -> ()
        }
        %scan3A_40 = arith.constant 20 : i32
      }
      %scan3A_25 = arith.constant 4 : i32
    } else {
    }
    %barrier3A_8 = arith.constant 0 : index
    tpu.barrier barrier_id(%barrier3A_8)
    %eq3A_9 = arith.constant 0 : i32
    %eq3A_10 = arith.cmpi eq, %arg0, %eq3A_9 : i32
    %convert_element_type3A_11 = arith.extui %eq3A_10 : i1 to i32
    %cond3A_12 = arith.constant 0 : i32
    %cond3A_13 = arith.cmpi ne, %convert_element_type3A_11, %cond3A_12 : i32
    scf.if %cond3A_13 {
      %mul3A_19 = arith.constant 640 : i32
      %mul3A_20 = arith.muli %arg1, %mul3A_19 : i32
      %mul3A_21 = arith.constant 640 : i32
      %mul3A_22 = arith.muli %arg1, %mul3A_21 : i32
      "tpu.region"() ({
        %run_scoped3A = tpu.sem_alloc : memref<!tpu.dma_semaphore, #tpu.memory_space<semaphore_mem>>
        %dma_start3A = arith.constant 0 : i32
        %dma_start3A_23 = tpu.memref_slice %arg7[%mul3A_22, %dma_start3A] : memref<10240x128xf32, #tpu.memory_space<hbm>> -> memref<640x128xf32, #tpu.memory_space<hbm>>
        %dma_start3A_24 = arith.constant 0 : i32
        %dma_start3A_25 = tpu.memref_slice %arg13[%mul3A_20, %dma_start3A_24] : memref<10240x128xf32, #tpu.memory_space<vmem_shared>> -> memref<640x128xf32, #tpu.memory_space<vmem_shared>>
        tpu.enqueue_dma source(%dma_start3A_25 : memref<640x128xf32, #tpu.memory_space<vmem_shared>>) target(%dma_start3A_23 : memref<640x128xf32, #tpu.memory_space<hbm>>) target_semaphore(%run_scoped3A : memref<!tpu.dma_semaphore, #tpu.memory_space<semaphore_mem>>)
        %dma_wait3A = arith.constant 0 : i32
        %dma_wait3A_26 = tpu.memref_slice %arg7[%mul3A_22, %dma_wait3A] : memref<10240x128xf32, #tpu.memory_space<hbm>> -> memref<640x128xf32, #tpu.memory_space<hbm>>
        %dma_wait3A_27 = arith.constant 0 : i32
        %dma_wait3A_28 = tpu.memref_slice %arg13[%mul3A_20, %dma_wait3A_27] : memref<10240x128xf32, #tpu.memory_space<vmem_shared>> -> memref<640x128xf32, #tpu.memory_space<vmem_shared>>
        tpu.wait_dma2 semaphore(%run_scoped3A : memref<!tpu.dma_semaphore, #tpu.memory_space<semaphore_mem>>) src(%dma_wait3A_28 : memref<640x128xf32, #tpu.memory_space<vmem_shared>>) dst(%dma_wait3A_26 : memref<640x128xf32, #tpu.memory_space<hbm>>)
        tpu.yield
      }) : () -> ()
    } else {
    }
    %eq3A_14 = arith.constant 1 : i32
    %eq3A_15 = arith.cmpi eq, %arg0, %eq3A_14 : i32
    %convert_element_type3A_16 = arith.extui %eq3A_15 : i1 to i32
    %cond3A_17 = arith.constant 0 : i32
    %cond3A_18 = arith.cmpi ne, %convert_element_type3A_16, %cond3A_17 : i32
    scf.if %cond3A_18 {
      %mul3A_19 = arith.constant 640 : i32
      %mul3A_20 = arith.muli %arg1, %mul3A_19 : i32
      %mul3A_21 = arith.constant 640 : i32
      %mul3A_22 = arith.muli %arg1, %mul3A_21 : i32
      "tpu.region"() ({
        %run_scoped3A = tpu.sem_alloc : memref<!tpu.dma_semaphore, #tpu.memory_space<semaphore_mem>>
        %dma_start3A = arith.constant 0 : i32
        %dma_start3A_23 = tpu.memref_slice %arg8[%mul3A_22, %dma_start3A] : memref<10240x128xf32, #tpu.memory_space<hbm>> -> memref<640x128xf32, #tpu.memory_space<hbm>>
        %dma_start3A_24 = arith.constant 0 : i32
        %dma_start3A_25 = tpu.memref_slice %arg13[%mul3A_20, %dma_start3A_24] : memref<10240x128xf32, #tpu.memory_space<vmem_shared>> -> memref<640x128xf32, #tpu.memory_space<vmem_shared>>
        tpu.enqueue_dma source(%dma_start3A_25 : memref<640x128xf32, #tpu.memory_space<vmem_shared>>) target(%dma_start3A_23 : memref<640x128xf32, #tpu.memory_space<hbm>>) target_semaphore(%run_scoped3A : memref<!tpu.dma_semaphore, #tpu.memory_space<semaphore_mem>>)
        %dma_wait3A = arith.constant 0 : i32
        %dma_wait3A_26 = tpu.memref_slice %arg8[%mul3A_22, %dma_wait3A] : memref<10240x128xf32, #tpu.memory_space<hbm>> -> memref<640x128xf32, #tpu.memory_space<hbm>>
        %dma_wait3A_27 = arith.constant 0 : i32
        %dma_wait3A_28 = tpu.memref_slice %arg13[%mul3A_20, %dma_wait3A_27] : memref<10240x128xf32, #tpu.memory_space<vmem_shared>> -> memref<640x128xf32, #tpu.memory_space<vmem_shared>>
        tpu.wait_dma2 semaphore(%run_scoped3A : memref<!tpu.dma_semaphore, #tpu.memory_space<semaphore_mem>>) src(%dma_wait3A_28 : memref<640x128xf32, #tpu.memory_space<vmem_shared>>) dst(%dma_wait3A_26 : memref<640x128xf32, #tpu.memory_space<hbm>>)
        tpu.yield
      }) : () -> ()
    } else {
    }
    return
  }
}

module attributes {stable_mosaic.version = 14 : i64} {
  func.func @_tc0_body(%arg0: i32, %arg1: memref<1000x128xf32, #tpu.memory_space<vmem>>, %arg2: memref<1000x128xf32, #tpu.memory_space<vmem>>, %arg3: memref<1000x128xf32, #tpu.memory_space<vmem>>, %arg4: memref<1000x128xf32, #tpu.memory_space<vmem>>, %arg5: memref<1000x128xf32, #tpu.memory_space<vmem>>, %arg6: memref<128x256xf32, #tpu.memory_space<vmem>>, %arg7: memref<1x256xf32, #tpu.memory_space<vmem>>, %arg8: memref<128x256xf32, #tpu.memory_space<vmem>>, %arg9: memref<1000x128xf32, #tpu.memory_space<vmem>>, %arg10: memref<1000x128xf32, #tpu.memory_space<vmem>>) attributes {dimension_semantics = [#tpu.dimension_semantics<arbitrary>], iteration_bounds = array<i64: 10>, scalar_prefetch = 0 : i64, scratch_operands = 0 : i64, tpu.core_type = #tpu.core_type<tc>, window_params = [{transform_indices = @transform_0, window_bounds = array<i64: 1000, 128>}, {transform_indices = @transform_1, window_bounds = array<i64: 1000, 128>}, {transform_indices = @transform_2, window_bounds = array<i64: 1000, 128>}, {transform_indices = @transform_3, window_bounds = array<i64: 1000, 128>}, {transform_indices = @transform_4, window_bounds = array<i64: 1000, 128>}, {pipeline_mode = #tpu.pipeline_mode<synchronous>, transform_indices = @transform_5, window_bounds = array<i64: 128, 256>}, {pipeline_mode = #tpu.pipeline_mode<synchronous>, transform_indices = @transform_6, window_bounds = array<i64: 1, 256>}, {pipeline_mode = #tpu.pipeline_mode<synchronous>, transform_indices = @transform_7, window_bounds = array<i64: 128, 256>}, {transform_indices = @transform_8, window_bounds = array<i64: 1000, 128>}, {transform_indices = @transform_9, window_bounds = array<i64: 1000, 128>}]} {
    %get3A = arith.constant 0 : index
    %get3A_0 = arith.constant 0 : index
    %get3A_1 = vector.load %arg3[%get3A, %get3A_0] : memref<1000x128xf32, #tpu.memory_space<vmem>>, vector<1000x1xf32>
    %get3A_2 = arith.constant 0 : index
    %get3A_3 = arith.constant 0 : index
    %get3A_4 = vector.load %arg4[%get3A_2, %get3A_3] : memref<1000x128xf32, #tpu.memory_space<vmem>>, vector<1000x1xf32>
    %add3A = arith.addf %get3A_1, %get3A_4 : vector<1000x1xf32>
    %max3A = arith.constant 1.000000e+00 : f32
    %max3A_5 = vector.broadcast %max3A : f32 to vector<1000x1xf32>
    %max3A_6 = arith.maximumf %add3A, %max3A_5 : vector<1000x1xf32>
    %div3A = arith.constant 1.000000e+00 : f32
    %div3A_7 = vector.broadcast %div3A : f32 to vector<1000x1xf32>
    %div3A_8 = arith.divf %div3A_7, %max3A_6 : vector<1000x1xf32>
    %get3A_9 = arith.constant 0 : index
    %get3A_10 = arith.constant 0 : index
    %get3A_11 = vector.load %arg1[%get3A_9, %get3A_10] : memref<1000x128xf32, #tpu.memory_space<vmem>>, vector<1000x128xf32>
    %get3A_12 = arith.constant 0 : index
    %get3A_13 = arith.constant 0 : index
    %get3A_14 = vector.load %arg2[%get3A_12, %get3A_13] : memref<1000x128xf32, #tpu.memory_space<vmem>>, vector<1000x128xf32>
    %add3A_15 = arith.addf %get3A_11, %get3A_14 : vector<1000x128xf32>
    %mul3A = vector.broadcast %div3A_8 : vector<1000x1xf32> to vector<1000x128xf32>
    %mul3A_16 = arith.mulf %add3A_15, %mul3A : vector<1000x128xf32>
    %get3A_17 = arith.constant 0 : index
    %get3A_18 = arith.constant 0 : index
    %get3A_19 = vector.load %arg6[%get3A_17, %get3A_18] : memref<128x256xf32, #tpu.memory_space<vmem>>, vector<128x256xf32>
    %dot_general3A = arith.constant dense<0.000000e+00> : vector<1000x256xf32>
    %dot_general3A_20 = tpu.matmul %mul3A_16, %get3A_19, %dot_general3A {dimension_numbers = #tpu.dot_dimension_numbers<[1], [0], [0], [1], [0, 0, 1, 1], [], []>, transpose_lhs_hint = false} : vector<1000x128xf32>, vector<128x256xf32>, vector<1000x256xf32> -> vector<1000x256xf32>
    %get3A_21 = arith.constant 0 : index
    %get3A_22 = arith.constant 0 : index
    %get3A_23 = vector.load %arg5[%get3A_21, %get3A_22] : memref<1000x128xf32, #tpu.memory_space<vmem>>, vector<1000x128xf32>
    %get3A_24 = arith.constant 0 : index
    %get3A_25 = arith.constant 0 : index
    %get3A_26 = vector.load %arg8[%get3A_24, %get3A_25] : memref<128x256xf32, #tpu.memory_space<vmem>>, vector<128x256xf32>
    %dot_general3A_27 = arith.constant dense<0.000000e+00> : vector<1000x256xf32>
    %dot_general3A_28 = tpu.matmul %get3A_23, %get3A_26, %dot_general3A_27 {dimension_numbers = #tpu.dot_dimension_numbers<[1], [0], [0], [1], [0, 0, 1, 1], [], []>, transpose_lhs_hint = false} : vector<1000x128xf32>, vector<128x256xf32>, vector<1000x256xf32> -> vector<1000x256xf32>
    %add3A_29 = arith.addf %dot_general3A_20, %dot_general3A_28 : vector<1000x256xf32>
    %get3A_30 = arith.constant 0 : index
    %get3A_31 = arith.constant 0 : index
    %get3A_32 = vector.load %arg7[%get3A_30, %get3A_31] : memref<1x256xf32, #tpu.memory_space<vmem>>, vector<1x256xf32>
    %add3A_33 = vector.broadcast %get3A_32 : vector<1x256xf32> to vector<1000x256xf32>
    %add3A_34 = arith.addf %add3A_29, %add3A_33 : vector<1000x256xf32>
    %max3A_35 = arith.constant 0.000000e+00 : f32
    %max3A_36 = vector.broadcast %max3A_35 : f32 to vector<1000x256xf32>
    %max3A_37 = arith.maximumf %add3A_34, %max3A_36 : vector<1000x256xf32>
    %slice3A = vector.extract_strided_slice %max3A_37 {offsets = [0, 0], sizes = [1000, 128], strides = [1, 1]} : vector<1000x256xf32> to vector<1000x128xf32>
    %swap3A = arith.constant 0 : index
    %swap3A_38 = arith.constant 0 : index
    %swap3A_39 = vector.load %arg9[%swap3A, %swap3A_38] : memref<1000x128xf32, #tpu.memory_space<vmem>>, vector<1000x128xf32>
    tpu.vector_store %arg9[%swap3A, %swap3A_38], %slice3A {strides = array<i32>} : memref<1000x128xf32, #tpu.memory_space<vmem>>, vector<1000x128xf32>,
    %slice3A_40 = vector.extract_strided_slice %max3A_37 {offsets = [0, 128], sizes = [1000, 128], strides = [1, 1]} : vector<1000x256xf32> to vector<1000x128xf32>
    %swap3A_41 = arith.constant 0 : index
    %swap3A_42 = arith.constant 0 : index
    %swap3A_43 = vector.load %arg10[%swap3A_41, %swap3A_42] : memref<1000x128xf32, #tpu.memory_space<vmem>>, vector<1000x128xf32>
    tpu.vector_store %arg10[%swap3A_41, %swap3A_42], %slice3A_40 {strides = array<i32>} : memref<1000x128xf32, #tpu.memory_space<vmem>>, vector<1000x128xf32>,
    return
  }
  func.func @transform_0(%arg0: i32) -> (i32, i32) {
    %c0_i32 = arith.constant 0 : i32
    %c0_i32_0 = arith.constant 0 : i32
    return %arg0, %c0_i32 : i32, i32
  }
  func.func @transform_1(%arg0: i32) -> (i32, i32) {
    %c0_i32 = arith.constant 0 : i32
    %c0_i32_0 = arith.constant 0 : i32
    return %arg0, %c0_i32 : i32, i32
  }
  func.func @transform_2(%arg0: i32) -> (i32, i32) {
    %c0_i32 = arith.constant 0 : i32
    %c0_i32_0 = arith.constant 0 : i32
    return %arg0, %c0_i32 : i32, i32
  }
  func.func @transform_3(%arg0: i32) -> (i32, i32) {
    %c0_i32 = arith.constant 0 : i32
    %c0_i32_0 = arith.constant 0 : i32
    return %arg0, %c0_i32 : i32, i32
  }
  func.func @transform_4(%arg0: i32) -> (i32, i32) {
    %c0_i32 = arith.constant 0 : i32
    %c0_i32_0 = arith.constant 0 : i32
    return %arg0, %c0_i32 : i32, i32
  }
  func.func @transform_5(%arg0: i32) -> (i32, i32) {
    %c0_i32 = arith.constant 0 : i32
    %c0_i32_0 = arith.constant 0 : i32
    %c0_i32_1 = arith.constant 0 : i32
    return %c0_i32, %c0_i32_0 : i32, i32
  }
  func.func @transform_6(%arg0: i32) -> (i32, i32) {
    %c0_i32 = arith.constant 0 : i32
    %c0_i32_0 = arith.constant 0 : i32
    %c0_i32_1 = arith.constant 0 : i32
    return %c0_i32, %c0_i32_0 : i32, i32
  }
  func.func @transform_7(%arg0: i32) -> (i32, i32) {
    %c0_i32 = arith.constant 0 : i32
    %c0_i32_0 = arith.constant 0 : i32
    %c0_i32_1 = arith.constant 0 : i32
    return %c0_i32, %c0_i32_0 : i32, i32
  }
  func.func @transform_8(%arg0: i32) -> (i32, i32) {
    %c0_i32 = arith.constant 0 : i32
    %c0_i32_0 = arith.constant 0 : i32
    return %arg0, %c0_i32 : i32, i32
  }
  func.func @transform_9(%arg0: i32) -> (i32, i32) {
    %c0_i32 = arith.constant 0 : i32
    %c0_i32_0 = arith.constant 0 : i32
    return %arg0, %c0_i32 : i32, i32
  }
}

module attributes {stable_mosaic.version = 14 : i64} {
  func.func @_tc1_body(%arg0: i32, %arg1: memref<1000x128xf32, #tpu.memory_space<vmem>>, %arg2: memref<1000x128xf32, #tpu.memory_space<vmem>>, %arg3: memref<1000x128xf32, #tpu.memory_space<vmem>>, %arg4: memref<1000x128xf32, #tpu.memory_space<vmem>>, %arg5: memref<1000x128xf32, #tpu.memory_space<vmem>>, %arg6: memref<1000x128xf32, #tpu.memory_space<vmem>>, %arg7: memref<256x256xf32, #tpu.memory_space<vmem>>, %arg8: memref<1x256xf32, #tpu.memory_space<vmem>>, %arg9: memref<256x256xf32, #tpu.memory_space<vmem>>, %arg10: memref<256x256xf32, #tpu.memory_space<vmem>>, %arg11: memref<1x256xf32, #tpu.memory_space<vmem>>, %arg12: memref<256x256xf32, #tpu.memory_space<vmem>>, %arg13: memref<1x256xf32, #tpu.memory_space<vmem>>, %arg14: memref<256x128xf32, #tpu.memory_space<vmem>>, %arg15: memref<1x128xf32, #tpu.memory_space<vmem>>, %arg16: memref<1000x128xf32, #tpu.memory_space<vmem>>) attributes {dimension_semantics = [#tpu.dimension_semantics<arbitrary>], iteration_bounds = array<i64: 10>, scalar_prefetch = 0 : i64, scratch_operands = 0 : i64, tpu.core_type = #tpu.core_type<tc>, window_params = [{transform_indices = @transform_0, window_bounds = array<i64: 1000, 128>}, {transform_indices = @transform_1, window_bounds = array<i64: 1000, 128>}, {transform_indices = @transform_2, window_bounds = array<i64: 1000, 128>}, {transform_indices = @transform_3, window_bounds = array<i64: 1000, 128>}, {transform_indices = @transform_4, window_bounds = array<i64: 1000, 128>}, {transform_indices = @transform_5, window_bounds = array<i64: 1000, 128>}, {pipeline_mode = #tpu.pipeline_mode<synchronous>, transform_indices = @transform_6, window_bounds = array<i64: 256, 256>}, {pipeline_mode = #tpu.pipeline_mode<synchronous>, transform_indices = @transform_7, window_bounds = array<i64: 1, 256>}, {pipeline_mode = #tpu.pipeline_mode<synchronous>, transform_indices = @transform_8, window_bounds = array<i64: 256, 256>}, {pipeline_mode = #tpu.pipeline_mode<synchronous>, transform_indices = @transform_9, window_bounds = array<i64: 256, 256>}, {pipeline_mode = #tpu.pipeline_mode<synchronous>, transform_indices = @transform_10, window_bounds = array<i64: 1, 256>}, {pipeline_mode = #tpu.pipeline_mode<synchronous>, transform_indices = @transform_11, window_bounds = array<i64: 256, 256>}, {pipeline_mode = #tpu.pipeline_mode<synchronous>, transform_indices = @transform_12, window_bounds = array<i64: 1, 256>}, {pipeline_mode = #tpu.pipeline_mode<synchronous>, transform_indices = @transform_13, window_bounds = array<i64: 256, 128>}, {pipeline_mode = #tpu.pipeline_mode<synchronous>, transform_indices = @transform_14, window_bounds = array<i64: 1, 128>}, {transform_indices = @transform_15, window_bounds = array<i64: 1000, 128>}]} {
    %get3A = arith.constant 0 : index
    %get3A_0 = arith.constant 0 : index
    %get3A_1 = vector.load %arg3[%get3A, %get3A_0] : memref<1000x128xf32, #tpu.memory_space<vmem>>, vector<1000x1xf32>
    %get3A_2 = arith.constant 0 : index
    %get3A_3 = arith.constant 0 : index
    %get3A_4 = vector.load %arg4[%get3A_2, %get3A_3] : memref<1000x128xf32, #tpu.memory_space<vmem>>, vector<1000x1xf32>
    %add3A = arith.addf %get3A_1, %get3A_4 : vector<1000x1xf32>
    %max3A = arith.constant 1.000000e+00 : f32
    %max3A_5 = vector.broadcast %max3A : f32 to vector<1000x1xf32>
    %max3A_6 = arith.maximumf %add3A, %max3A_5 : vector<1000x1xf32>
    %div3A = arith.constant 1.000000e+00 : f32
    %div3A_7 = vector.broadcast %div3A : f32 to vector<1000x1xf32>
    %div3A_8 = arith.divf %div3A_7, %max3A_6 : vector<1000x1xf32>
    %get3A_9 = arith.constant 0 : index
    %get3A_10 = arith.constant 0 : index
    %get3A_11 = vector.load %arg7[%get3A_9, %get3A_10] : memref<256x256xf32, #tpu.memory_space<vmem>>, vector<256x256xf32>
    %get3A_12 = arith.constant 0 : index
    %get3A_13 = arith.constant 0 : index
    %get3A_14 = vector.load %arg9[%get3A_12, %get3A_13] : memref<256x256xf32, #tpu.memory_space<vmem>>, vector<256x256xf32>
    %get3A_15 = arith.constant 0 : index
    %get3A_16 = arith.constant 0 : index
    %get3A_17 = vector.load %arg1[%get3A_15, %get3A_16] : memref<1000x128xf32, #tpu.memory_space<vmem>>, vector<1000x128xf32>
    %mul3A = vector.broadcast %div3A_8 : vector<1000x1xf32> to vector<1000x128xf32>
    %mul3A_18 = arith.mulf %get3A_17, %mul3A : vector<1000x128xf32>
    %slice3A = vector.extract_strided_slice %get3A_11 {offsets = [0, 0], sizes = [128, 256], strides = [1, 1]} : vector<256x256xf32> to vector<128x256xf32>
    %dot_general3A = arith.constant dense<0.000000e+00> : vector<1000x256xf32>
    %dot_general3A_19 = tpu.matmul %mul3A_18, %slice3A, %dot_general3A {dimension_numbers = #tpu.dot_dimension_numbers<[1], [0], [0], [1], [0, 0, 1, 1], [], []>, transpose_lhs_hint = false} : vector<1000x128xf32>, vector<128x256xf32>, vector<1000x256xf32> -> vector<1000x256xf32>
    %get3A_20 = arith.constant 0 : index
    %get3A_21 = arith.constant 0 : index
    %get3A_22 = vector.load %arg2[%get3A_20, %get3A_21] : memref<1000x128xf32, #tpu.memory_space<vmem>>, vector<1000x128xf32>
    %mul3A_23 = vector.broadcast %div3A_8 : vector<1000x1xf32> to vector<1000x128xf32>
    %mul3A_24 = arith.mulf %get3A_22, %mul3A_23 : vector<1000x128xf32>
    %slice3A_25 = vector.extract_strided_slice %get3A_11 {offsets = [128, 0], sizes = [128, 256], strides = [1, 1]} : vector<256x256xf32> to vector<128x256xf32>
    %dot_general3A_26 = arith.constant dense<0.000000e+00> : vector<1000x256xf32>
    %dot_general3A_27 = tpu.matmul %mul3A_24, %slice3A_25, %dot_general3A_26 {dimension_numbers = #tpu.dot_dimension_numbers<[1], [0], [0], [1], [0, 0, 1, 1], [], []>, transpose_lhs_hint = false} : vector<1000x128xf32>, vector<128x256xf32>, vector<1000x256xf32> -> vector<1000x256xf32>
    %add3A_28 = arith.addf %dot_general3A_19, %dot_general3A_27 : vector<1000x256xf32>
    %get3A_29 = arith.constant 0 : index
    %get3A_30 = arith.constant 0 : index
    %get3A_31 = vector.load %arg5[%get3A_29, %get3A_30] : memref<1000x128xf32, #tpu.memory_space<vmem>>, vector<1000x128xf32>
    %slice3A_32 = vector.extract_strided_slice %get3A_14 {offsets = [0, 0], sizes = [128, 256], strides = [1, 1]} : vector<256x256xf32> to vector<128x256xf32>
    %dot_general3A_33 = arith.constant dense<0.000000e+00> : vector<1000x256xf32>
    %dot_general3A_34 = tpu.matmul %get3A_31, %slice3A_32, %dot_general3A_33 {dimension_numbers = #tpu.dot_dimension_numbers<[1], [0], [0], [1], [0, 0, 1, 1], [], []>, transpose_lhs_hint = false} : vector<1000x128xf32>, vector<128x256xf32>, vector<1000x256xf32> -> vector<1000x256xf32>
    %add3A_35 = arith.addf %add3A_28, %dot_general3A_34 : vector<1000x256xf32>
    %get3A_36 = arith.constant 0 : index
    %get3A_37 = arith.constant 0 : index
    %get3A_38 = vector.load %arg6[%get3A_36, %get3A_37] : memref<1000x128xf32, #tpu.memory_space<vmem>>, vector<1000x128xf32>
    %slice3A_39 = vector.extract_strided_slice %get3A_14 {offsets = [128, 0], sizes = [128, 256], strides = [1, 1]} : vector<256x256xf32> to vector<128x256xf32>
    %dot_general3A_40 = arith.constant dense<0.000000e+00> : vector<1000x256xf32>
    %dot_general3A_41 = tpu.matmul %get3A_38, %slice3A_39, %dot_general3A_40 {dimension_numbers = #tpu.dot_dimension_numbers<[1], [0], [0], [1], [0, 0, 1, 1], [], []>, transpose_lhs_hint = false} : vector<1000x128xf32>, vector<128x256xf32>, vector<1000x256xf32> -> vector<1000x256xf32>
    %add3A_42 = arith.addf %add3A_35, %dot_general3A_41 : vector<1000x256xf32>
    %get3A_43 = arith.constant 0 : index
    %get3A_44 = arith.constant 0 : index
    %get3A_45 = vector.load %arg8[%get3A_43, %get3A_44] : memref<1x256xf32, #tpu.memory_space<vmem>>, vector<1x256xf32>
    %add3A_46 = vector.broadcast %get3A_45 : vector<1x256xf32> to vector<1000x256xf32>
    %add3A_47 = arith.addf %add3A_42, %add3A_46 : vector<1000x256xf32>
    %max3A_48 = arith.constant 0.000000e+00 : f32
    %max3A_49 = vector.broadcast %max3A_48 : f32 to vector<1000x256xf32>
    %max3A_50 = arith.maximumf %add3A_47, %max3A_49 : vector<1000x256xf32>
    %get3A_51 = arith.constant 0 : index
    %get3A_52 = arith.constant 0 : index
    %get3A_53 = vector.load %arg10[%get3A_51, %get3A_52] : memref<256x256xf32, #tpu.memory_space<vmem>>, vector<256x256xf32>
    %dot_general3A_54 = arith.constant dense<0.000000e+00> : vector<1000x256xf32>
    %dot_general3A_55 = tpu.matmul %max3A_50, %get3A_53, %dot_general3A_54 {dimension_numbers = #tpu.dot_dimension_numbers<[1], [0], [0], [1], [0, 0, 1, 1], [], []>, transpose_lhs_hint = false} : vector<1000x256xf32>, vector<256x256xf32>, vector<1000x256xf32> -> vector<1000x256xf32>
    %get3A_56 = arith.constant 0 : index
    %get3A_57 = arith.constant 0 : index
    %get3A_58 = vector.load %arg11[%get3A_56, %get3A_57] : memref<1x256xf32, #tpu.memory_space<vmem>>, vector<1x256xf32>
    %add3A_59 = vector.broadcast %get3A_58 : vector<1x256xf32> to vector<1000x256xf32>
    %add3A_60 = arith.addf %dot_general3A_55, %add3A_59 : vector<1000x256xf32>
    %max3A_61 = arith.constant 0.000000e+00 : f32
    %max3A_62 = vector.broadcast %max3A_61 : f32 to vector<1000x256xf32>
    %max3A_63 = arith.maximumf %add3A_60, %max3A_62 : vector<1000x256xf32>
    %get3A_64 = arith.constant 0 : index
    %get3A_65 = arith.constant 0 : index
    %get3A_66 = vector.load %arg12[%get3A_64, %get3A_65] : memref<256x256xf32, #tpu.memory_space<vmem>>, vector<256x256xf32>
    %dot_general3A_67 = arith.constant dense<0.000000e+00> : vector<1000x256xf32>
    %dot_general3A_68 = tpu.matmul %max3A_63, %get3A_66, %dot_general3A_67 {dimension_numbers = #tpu.dot_dimension_numbers<[1], [0], [0], [1], [0, 0, 1, 1], [], []>, transpose_lhs_hint = false} : vector<1000x256xf32>, vector<256x256xf32>, vector<1000x256xf32> -> vector<1000x256xf32>
    %get3A_69 = arith.constant 0 : index
    %get3A_70 = arith.constant 0 : index
    %get3A_71 = vector.load %arg13[%get3A_69, %get3A_70] : memref<1x256xf32, #tpu.memory_space<vmem>>, vector<1x256xf32>
    %add3A_72 = vector.broadcast %get3A_71 : vector<1x256xf32> to vector<1000x256xf32>
    %add3A_73 = arith.addf %dot_general3A_68, %add3A_72 : vector<1000x256xf32>
    %max3A_74 = arith.constant 0.000000e+00 : f32
    %max3A_75 = vector.broadcast %max3A_74 : f32 to vector<1000x256xf32>
    %max3A_76 = arith.maximumf %add3A_73, %max3A_75 : vector<1000x256xf32>
    %get3A_77 = arith.constant 0 : index
    %get3A_78 = arith.constant 0 : index
    %get3A_79 = vector.load %arg14[%get3A_77, %get3A_78] : memref<256x128xf32, #tpu.memory_space<vmem>>, vector<256x128xf32>
    %dot_general3A_80 = arith.constant dense<0.000000e+00> : vector<1000x128xf32>
    %dot_general3A_81 = tpu.matmul %max3A_76, %get3A_79, %dot_general3A_80 {dimension_numbers = #tpu.dot_dimension_numbers<[1], [0], [0], [1], [0, 0, 1, 1], [], []>, transpose_lhs_hint = false} : vector<1000x256xf32>, vector<256x128xf32>, vector<1000x128xf32> -> vector<1000x128xf32>
    %get3A_82 = arith.constant 0 : index
    %get3A_83 = arith.constant 0 : index
    %get3A_84 = vector.load %arg15[%get3A_82, %get3A_83] : memref<1x128xf32, #tpu.memory_space<vmem>>, vector<1x128xf32>
    %add3A_85 = vector.broadcast %get3A_84 : vector<1x128xf32> to vector<1000x128xf32>
    %add3A_86 = arith.addf %dot_general3A_81, %add3A_85 : vector<1000x128xf32>
    %swap3A = arith.constant 0 : index
    %swap3A_87 = arith.constant 0 : index
    %swap3A_88 = vector.load %arg16[%swap3A, %swap3A_87] : memref<1000x128xf32, #tpu.memory_space<vmem>>, vector<1000x128xf32>
    tpu.vector_store %arg16[%swap3A, %swap3A_87], %add3A_86 {strides = array<i32>} : memref<1000x128xf32, #tpu.memory_space<vmem>>, vector<1000x128xf32>,
    return
  }
  func.func @transform_0(%arg0: i32) -> (i32, i32) {
    %c0_i32 = arith.constant 0 : i32
    %c0_i32_0 = arith.constant 0 : i32
    return %arg0, %c0_i32 : i32, i32
  }
  func.func @transform_1(%arg0: i32) -> (i32, i32) {
    %c0_i32 = arith.constant 0 : i32
    %c0_i32_0 = arith.constant 0 : i32
    return %arg0, %c0_i32 : i32, i32
  }
  func.func @transform_2(%arg0: i32) -> (i32, i32) {
    %c0_i32 = arith.constant 0 : i32
    %c0_i32_0 = arith.constant 0 : i32
    return %arg0, %c0_i32 : i32, i32
  }
  func.func @transform_3(%arg0: i32) -> (i32, i32) {
    %c0_i32 = arith.constant 0 : i32
    %c0_i32_0 = arith.constant 0 : i32
    return %arg0, %c0_i32 : i32, i32
  }
  func.func @transform_4(%arg0: i32) -> (i32, i32) {
    %c0_i32 = arith.constant 0 : i32
    %c0_i32_0 = arith.constant 0 : i32
    return %arg0, %c0_i32 : i32, i32
  }
  func.func @transform_5(%arg0: i32) -> (i32, i32) {
    %c0_i32 = arith.constant 0 : i32
    %c0_i32_0 = arith.constant 0 : i32
    return %arg0, %c0_i32 : i32, i32
  }
  func.func @transform_6(%arg0: i32) -> (i32, i32) {
    %c0_i32 = arith.constant 0 : i32
    %c0_i32_0 = arith.constant 0 : i32
    %c0_i32_1 = arith.constant 0 : i32
    return %c0_i32, %c0_i32_0 : i32, i32
  }
  func.func @transform_7(%arg0: i32) -> (i32, i32) {
    %c0_i32 = arith.constant 0 : i32
    %c0_i32_0 = arith.constant 0 : i32
    %c0_i32_1 = arith.constant 0 : i32
    return %c0_i32, %c0_i32_0 : i32, i32
  }
  func.func @transform_8(%arg0: i32) -> (i32, i32) {
    %c0_i32 = arith.constant 0 : i32
    %c0_i32_0 = arith.constant 0 : i32
    %c0_i32_1 = arith.constant 0 : i32
    return %c0_i32, %c0_i32_0 : i32, i32
  }
  func.func @transform_9(%arg0: i32) -> (i32, i32) {
    %c0_i32 = arith.constant 0 : i32
    %c0_i32_0 = arith.constant 0 : i32
    %c0_i32_1 = arith.constant 0 : i32
    return %c0_i32, %c0_i32_0 : i32, i32
  }
  func.func @transform_10(%arg0: i32) -> (i32, i32) {
    %c0_i32 = arith.constant 0 : i32
    %c0_i32_0 = arith.constant 0 : i32
    %c0_i32_1 = arith.constant 0 : i32
    return %c0_i32, %c0_i32_0 : i32, i32
  }
  func.func @transform_11(%arg0: i32) -> (i32, i32) {
    %c0_i32 = arith.constant 0 : i32
    %c0_i32_0 = arith.constant 0 : i32
    %c0_i32_1 = arith.constant 0 : i32
    return %c0_i32, %c0_i32_0 : i32, i32
  }
  func.func @transform_12(%arg0: i32) -> (i32, i32) {
    %c0_i32 = arith.constant 0 : i32
    %c0_i32_0 = arith.constant 0 : i32
    %c0_i32_1 = arith.constant 0 : i32
    return %c0_i32, %c0_i32_0 : i32, i32
  }
  func.func @transform_13(%arg0: i32) -> (i32, i32) {
    %c0_i32 = arith.constant 0 : i32
    %c0_i32_0 = arith.constant 0 : i32
    %c0_i32_1 = arith.constant 0 : i32
    return %c0_i32, %c0_i32_0 : i32, i32
  }
  func.func @transform_14(%arg0: i32) -> (i32, i32) {
    %c0_i32 = arith.constant 0 : i32
    %c0_i32_0 = arith.constant 0 : i32
    %c0_i32_1 = arith.constant 0 : i32
    return %c0_i32, %c0_i32_0 : i32, i32
  }
  func.func @transform_15(%arg0: i32) -> (i32, i32) {
    %c0_i32 = arith.constant 0 : i32
    %c0_i32_0 = arith.constant 0 : i32
    return %arg0, %c0_i32 : i32, i32
  }
}

</mosaic_0001>

<sc_bundles>
// kernel: kernel.10.cloned.1.call-start
scs
__scs_entry_jumppad:
0x0: {  	(pc) =	sbr.rel $0x88, $3  }
0x1: {  	(tag) =	ssettag $0x0;
	lr =	simm.s32 $0x1  }
0x2: {  	[smem:$0x3F93] =	sst lr;
	_ =	strace $0xD0000000  }
0x3: {  	_ = 	snop  }
0x4: {  	_ = 	snop  }
0x5: {  	_ = 	snop  }
0x6: {  	_ = 	snop  }
0x7: {  	_ = 	snop  }
__scs_overlays_trampoline_lowered:
0x8: {  	[smem:$0x3FA2] =	sst s0  }
0x9: {  	[smem:$0x3FA3] =	sst s1  }
0xa: {  	[smem:$0x3FA4] =	sst s2  }
0xb: {  	[smem:$0x3FA5] =	sst s3  }
0xc: {  	[smem:$0x3FA6] =	sst s4  }
0xd: {  	[smem:$0x3FA7] =	sst s5  }
0xe: {  	[smem:$0x3FA8] =	sst s6  }
0xf: {  	[smem:$0x3FA9] =	sst s7  }
0x10: {  	[smem:$0x3FAA] =	sst s8  }
0x11: {  	[smem:$0x3FAB] =	sst s9;
	s0 =	simm.s32 @!p0 $0x0  }
0x12: {  	s1 =	sld [smem:$0x3F91];
	s0 =	simm.s32 @p0 $0x1  }
0x13: {  	[smem:$0x3FAC] =	sst s0;
	s0 =	simm.s32 @!p1 $0x0  }
0x14: {  	s2 =	sld [smem:$0x3F90];
	s0 =	simm.s32 @p1 $0x1  }
0x15: {  	[smem:$0x3FAD] =	sst s0;
	s0 =	simm.s32 @!p2 $0x0  }
0x16: {  	s3 =	sld [smem:$0x3FDB];
	s0 =	simm.s32 @p2 $0x1  }
0x17: {  	s4 =	simm.s32 $0x1BF5;
	[smem:$0x3FAF] =	sst s0  }
0x18: {  	s0 =	sld [smem:$0x3F92];
	_ =	swait.ge [sflag:s4], $0x0  }
0x19: {  	s7 =	sld [smem:$0x3F93]  }
0x1a: {  	s8 =	sadd.s32 $0xFFFFE003, lr  }
0x1b: {  	s9 =	sadd.s32 $0xFFFFFEF7, lr;
	s5 =	simm.s32 $0xFFFFFFFF;
	p2 =	slt.u32 s8, $0xFFFFF086  }
0x1c: {  	p1 =	slt.u32 s9, $0xF7A;
	s5 =	simm.s32 @!p2 $0x0  }
0x1d: {  	s5 =	simm.s32 @p1 $0x1;
	p0 =	seq.s32 s7, s2  }
0x1e: {  	s7 =	smul.u32 @!p0 $0xF7A, s2;
	p2 =	seq.s32 @!p0 s5, $0x0  }
0x1f: {  	s9 =	smul.u32 $0xF7A, s1;
	s8 =	simm.s32 @!p0 $0x1BF5;
	p2 =	por !p2, p0  }
0x20: {  	[sflag:s8] =	ssyncset.s32 @!p0 $0xFFFFF086;
	s6 =	sadd.s32 @!p0 s3, s7;
	s7 =	simm.s32 @!p0 $0x108  }
0x21: {  	s3 =	sadd.s32 s3, s9;
	s6 =	sadd.s32 @!p0 $0x88, s6;
	s7 =	simm.s32 @p2 $0x1082  }
0x22: {  	[simem:s7], [sflag:s8] =	dma.local @!p0 [hbm:s6], $0xF7A  }
0x23: {  	s9 =	sor.u32 $0xD0000000, s2;
	s6 =	simm.s32 $0x108;
	_ =	swait.ge @!p0 [sflag:s8], $0x0  }
0x24: {  	s3 =	sadd.s32 $0x88, s3;
	s6 =	simm.s32 @!p1 $0x1082;
	[sflag:s4] =	ssyncset.s32 $0xFFFFF086  }
0x25: {  	[simem:s6], [sflag:s4] =	dma.local [hbm:s3], $0xF7A  }
0x26: {  	[smem:$0x3F93] =	sst s1;
	(tag) =	ssettag s2;
	_ =	strace s9  }
0x27: {  	s1 =	sld [smem:$0x3FA3]  }
0x28: {  	s2 =	sld [smem:$0x3FA4]  }
0x29: {  	s4 =	sld [smem:$0x3FA6]  }
0x2a: {  	p0 =	seq.s32 s5, $0x0;
	s5 =	sld [smem:$0x3FA7]  }
0x2b: {  	s6 =	sld [smem:$0x3FA8]  }
0x2c: {  	s7 =	sld [smem:$0x3FA9]  }
0x2d: {  	s3 =	simm.s32 $0x108;
	s8 =	sld [smem:$0x3FAA]  }
0x2e: {  	s3 =	simm.s32 @!p0 $0x1082;
	s9 =	sld [smem:$0x3FAB]  }
0x2f: {  	lr =	sadd.s32 s0, s3;
	s0 =	sld [smem:$0x3FA2]  }
0x30: {  	s3 =	sld [smem:$0x3FA5]  }
0x31: {  	[smem:$0x3FAE] =	sst s10  }
0x32: {  	s10 =	sld [smem:$0x3FAC];
	_ =	sdelay $0x3  }
0x33: {  	p0 =	seq.s32 s10, $0x1;
	s10 =	sld [smem:$0x3FAE];
	_ =	sdelay $0x3  }
0x34: {  	[smem:$0x3FAE] =	sst s10  }
0x35: {  	s10 =	sld [smem:$0x3FAD];
	_ =	sdelay $0x3  }
0x36: {  	p1 =	seq.s32 s10, $0x1;
	s10 =	sld [smem:$0x3FAE];
	_ =	sdelay $0x3  }
0x37: {  	[smem:$0x3FAE] =	sst s10  }
0x38: {  	s10 =	sld [smem:$0x3FAF]  }
0x39: {  	_ = 	snop;
	(pc) =	sbr.ind lr, $3  }
0x3a: {  	_ = 	snop  }
0x3b: {  	_ = 	snop  }
0x3c: {  	p2 =	seq.s32 s10, $0x1;
	s10 =	sld [smem:$0x3FAE]  }
0x3d: {  	_ =	shalt  }
0x3e: {  	_ =	shalt  }
0x3f: {  	_ =	shalt  }
0x40: {  	_ =	shalt  }
0x41: {  	_ =	shalt  }
0x42: {  	_ =	shalt  }
0x43: {  	_ =	shalt  }
0x44: {  	_ =	shalt  }
0x45: {  	_ =	shalt  }
0x46: {  	_ =	shalt  }
0x47: {  	_ =	shalt  }
0x48: {  	_ =	shalt  }
0x49: {  	_ =	shalt  }
0x4a: {  	_ =	shalt  }
0x4b: {  	_ =	shalt  }
0x4c: {  	_ =	shalt  }
0x4d: {  	_ =	shalt  }
0x4e: {  	_ =	shalt  }
0x4f: {  	_ =	shalt  }
0x50: {  	_ =	shalt  }
0x51: {  	_ =	shalt  }
0x52: {  	_ =	shalt  }
0x53: {  	_ =	shalt  }
0x54: {  	_ =	shalt  }
0x55: {  	_ =	shalt  }
0x56: {  	_ =	shalt  }
0x57: {  	_ =	shalt  }
0x58: {  	_ =	shalt  }
0x59: {  	_ =	shalt  }
0x5a: {  	_ =	shalt  }
0x5b: {  	_ =	shalt  }
0x5c: {  	_ =	shalt  }
0x5d: {  	_ =	shalt  }
0x5e: {  	_ =	shalt  }
0x5f: {  	_ =	shalt  }
0x60: {  	_ =	shalt  }
0x61: {  	_ =	shalt  }
0x62: {  	_ =	shalt  }
0x63: {  	_ =	shalt  }
0x64: {  	_ =	shalt  }
0x65: {  	_ =	shalt  }
0x66: {  	_ =	shalt  }
0x67: {  	_ =	shalt  }
0x68: {  	_ =	shalt  }
0x69: {  	_ =	shalt  }
0x6a: {  	_ =	shalt  }
0x6b: {  	_ =	shalt  }
0x6c: {  	_ =	shalt  }
0x6d: {  	_ =	shalt  }
0x6e: {  	_ =	shalt  }
0x6f: {  	_ =	shalt  }
0x70: {  	_ =	shalt  }
0x71: {  	_ =	shalt  }
0x72: {  	_ =	shalt  }
0x73: {  	_ =	shalt  }
0x74: {  	_ =	shalt  }
0x75: {  	_ =	shalt  }
0x76: {  	_ =	shalt  }
0x77: {  	_ =	shalt  }
0x78: {  	_ =	shalt  }
0x79: {  	_ =	shalt  }
0x7a: {  	_ =	shalt  }
0x7b: {  	_ =	shalt  }
0x7c: {  	_ =	shalt  }
0x7d: {  	_ =	shalt  }
0x7e: {  	_ =	shalt  }
0x7f: {  	_ =	shalt  }
0x80: {  	_ =	shalt  }
0x81: {  	_ =	shalt  }
0x82: {  	_ =	shalt  }
0x83: {  	_ =	shalt  }
0x84: {  	_ =	shalt  }
0x85: {  	_ =	shalt  }
0x86: {  	_ =	shalt  }
0x87: {  	_ =	shalt  }
.Lfunc_end0:
.L_simem_size_0:
called_computation.1_lowered:
.L_overlay_start_0:
0x88: {  	s2 =	sld [smem:$0x3FD9]  }
0x89: {  	s3 =	sld [smem:$0x3FFE];
	_ =	sdelay $0x1  }
0x8a: {  	s1 =	srdreg.scid  }
0x8b: {  	s0 =	sand.u32 $0x1, s1  }
0x8c: {  	s17 =	sshll.u32 s0, $0xA;
	s2 =	sadd.s32 s3, s2  }
0x8d: {  	s2 =	sadd.s32 s2, s17  }
0x8e: {  	[smem:$0x3FBA] =	sst s2  }
0x8f: {  	_ = 	snop  }
0x90: {  	s18 =	sld [smem:$0x3FD0];
	(tm) =	ssettm $0x1  }
0x91: {  	s19 =	sld [smem:$0x3FFB];
	_ =	sdelay $0x3  }
0x92: {  	_ =	strace s19  }
0x93: {  	s2 =	sld [smem:$0x3FFC];
	_ =	sdelay $0x3  }
0x94: {  	_ =	strace s2  }
0x95: {  	s2 =	sld [smem:$0x3FFD];
	_ =	sdelay $0x3  }
0x96: {  	_ =	strace s2  }
0x97: {  	_ =	strace $0x8FFFFFFF  }
0x98: {  	s20 =	sld [smem:$0x3FDB];
	_ =	sdelay $0x1  }
0x99: {  	s4 =	simm.s32 $_scs_section_size  }
0x9a: {  	s5 =	simm.s32 $_size__tile_overlayer_lowered;
	s6 =	simm.s32 $_tile_overlayer_lowered  }
0x9b: {  	s7 =	simm.s32 $0x1BFF;
	s21 =	sshll.u32 s6, $0x1;
	s4 =	sadd.s32 s4, s20  }
0x9c: {  	s22 =	simm.s32 $0x0;
	s5 =	sshll.u32 s5, $0x1;
	s6 =	sadd.s32 s21, s4  }
0x9d: {  	[timem:s22], [sflag:s7] =	dma.local [hbm:s6], s5  }
0x9e: {  	_ =	swait.ge [sflag:s7], s5  }
0x9f: {  	s5 =	ssub.s32 $0x0, s5;
	[sflag:s7] =	ssyncset.done $0x0  }
0xa0: {  	[sflag:s7] =	ssyncadd.s32 s5;
	_ =	sdelay $0x1  }
0xa1: {  	s23 =	simm.s32 $0x1B8B  }
0xa2: {  	_ =	swait.ge [sflag:s23], $0x1  }
0xa3: {  	[sflag:s23] =	ssyncset.done $0x0  }
0xa4: {  	[sflag:s23] =	ssyncadd.s32 $0xFFFFFFFF  }
0xa5: {  	s5 =	sld [smem:$0x0]  }
0xa6: {  	s6 =	sand.u32 $0xFFFFFFFE, s1  }
0xa7: {  	p0 =	sne.s32 s1, s6  }
0xa8: {  	s6 =	sshll.u32 @p0 s6, $0xE  }
0xa9: {  	s6 =	sadd.s32 @p0 $0x11B8D, s6;
	s7 =	sshll.u32 @p0 s5, $0x11  }
0xaa: {  	s6 =	sor.u32 @p0 s7, s6  }
0xab: {  	[sflag:s6] =	ssyncadd.remote.s32 @p0 $0x1;
	_ =	sdelay $0x1  }
0xac: {  	s6 =	simm.s32 @p0 $0x1B8D  }
0xad: {  	_ =	swait.eq @p0 [sflag:s6], $0x1  }
0xae: {  	[sflag:s6] =	ssyncadd.s32 @p0 $0xFFFFFFFF  }
0xaf: {  	s7 =	sshll.u32 @!p0 s1, $0xE  }
0xb0: {  	s7 =	sor.u32 @!p0 $0x4000, s7;
	s6 =	simm.s32 @!p0 $0x1B8D  }
0xb1: {  	s5 =	sshll.u32 @!p0 s5, $0x11;
	s7 =	sadd.s32 @!p0 $0x11B8D, s7;
	_ =	swait.eq @!p0 [sflag:s6], $0x1  }
0xb2: {  	s5 =	sor.u32 @!p0 s5, s7;
	[sflag:s6] =	ssyncadd.s32 @!p0 $0xFFFFFFFF  }
0xb3: {  	s25 =	simm.s32 $0x1B8E;
	s24 =	sld [smem:$0x3FFE];
	[sflag:s5] =	ssyncadd.remote.s32 @!p0 $0x1  }
0xb4: {  	s26 =	simm.s32 $execute0_lowered;
	[smem:$0x3FD2] =	sst s25  }
0xb5: {  	s6 =	sshll.u32 s26, $0x1;
	_ =	strace $0x80000049;
	[dreg:$0x1] =	wrdreg $0xFFFFFFFF  }
0xb6: {  	s28 =	simm.s32 $_size_execute0_lowered;
	s4 =	sadd.s32 s4, s6;
	[dreg:$0x0] =	wrdreg $0x0  }
0xb7: {  	s6 =	sshll.u32 s28, $0x1;
	[dreg:$0x2] =	wrdreg s4  }
0xb8: {  	[dreg:$0x3] =	wrdreg s6  }
0xb9: {  	[dreg:$0x4] =	wrdreg $0xC0  }
0xba: {  	_ =	task [dreg:s22], $0x5FFFF  }
0xbb: {  	[dreg:$0x1] =	wrdreg $0xFFFFFFFF  }
0xbc: {  	[dreg:$0x0] =	wrdreg $0x60  }
0xbd: {  	[dreg:$0x2] =	wrdreg s18  }
0xbe: {  	[dreg:$0x3] =	wrdreg s24  }
0xbf: {  	[dreg:$0x4] =	wrdreg $0x54000  }
0xc0: {  	[dreg:$0x5] =	wrdreg $0xA  }
0xc1: {  	_ =	task.clear_ibuf [dreg:s22], $0x6FFFF;
	_ =	strace $0x90000049  }
0xc2: {  	s29 =	simm.s32 $0xA;
	_ =	strace $0x8000004B  }
0xc3: {  	_ =	swait.ge [sflag:s29], $0x1  }
0xc4: {  	[sflag:s29] =	ssyncadd.s32 $0xFFFFFFFF  }
0xc5: {  	_ =	strace $0x9000004B  }
0xc6: {  	_ =	sfence  }
0xc7: {  	s30 =	sld [smem:$0x0];
	_ =	sdelay $0x2  }
0xc8: {  	s31 =	sshll.u32 s1, $0xD;
	s1 =	sshrl.u32 s1, $0x2  }
0xc9: {  	s4 =	sand.u32 $0x4000, s31;
	s1 =	sadd.s32 s1, s30  }
0xca: {  	s0 =	sor.u32 s4, s0;
	s1 =	sshll.u32 s1, $0x11  }
0xcb: {  	s0 =	sor.u32 s1, s0  }
0xcc: {  	s0 =	sadd.s32 $0x8F2B, s0  }
0xcd: {  	[sflag:s0] =	ssyncadd.remote.s32 $0x1  }
0xce: {  	_ =	sfence.sel $0xFFFF  }
0xcf: {  	[dreg:$0x0] =	wrdreg $0xFFFFFFFF;
	(pc) =	sbr.abs _section_cstart, $3  }
0xd0: {  	[dreg:$0x1] =	wrdreg $0xFFFFFFFF  }
0xd1: {  	_ =	task.clear_ibuf [dreg:s22], $0x2FFFF;
	_ =	strace $0x9FFFFFFF  }
0xd2: {  	(tm) =	ssettm $0x7FFFFFFF  }
0xd3: {  	_ =	shalt  }
tec
execute0_lowered:
.L_overlay_start_1:
0x0: {  	(tag) =	ssettag $0x1  }
0x1: {  	s7 =	rddreg [dreg:$0x0]  }
0x2: {  	s8 =	rddreg [dreg:$0x1]  }
0x3: {  	s1 =	rddreg [dreg:$0x2]  }
0x4: {  	s0 =	rddreg [dreg:$0x3];
	s3 =	simm.s32 $0x0  }
0x5: {  	s4 =	srdreg.scid;
	s2 =	stileid.u32;
	s14 =	simm.s32 $0x80  }
0x6: {  	s15 =	simm.s32 $0x1;
	s16 =	simm.s32 $0x2;
	s17 =	simm.s32 $0x1300  }
0x7: {  	s18 =	simm.s32 $0x1380;
	s19 =	simm.s32 $0x0;
	[smem:$0x7FF] =	sst s3  }
0x8: {  	s6 =	sand.u32 $0x1, s4;
	s9 =	smul.u32 $0x50000, s2;
	s4 =	sadd.s32 $0xDE00, s8  }
0x9: {  	s5 =	sadd.s32 $0x60600, s8;
	s31 =	sshll.u32 s2, $0x6;
	s13 =	smul.u32 $0x2800, s2  }
0xa: {  	_ =	strace $0x8000004A;
	s10 =	ssub.s32 $0x2, s6;
	s12 =	sshll.u32 s6, $0x4  }
0xb: {  	p0 =	seq.s32 s6, $0x1;
	s6 =	sor.u32 $0x1C03, s31;
	s28 =	sor.u32 s2, s12  }
0xc: {  	s11 =	sshrl.u32 s10, $0x1;
	s9 =	sshrl.u32 s9, $0x2;
	s30 =	smul.u32 $0x500, s28  }
0xd: {  	s12 =	simm.s32 $0x3;
	s10 =	ssub.s32 s10, s11;
	s11 =	simm.s32 $0x88E00  }
0xe: {  	s29 =	sadd.s32 s9, s1;
	s11 =	simm.s32 @!p0 $0x60E00;
	s7 =	sadd.s32 s7, s30  }
0xf: {  	s11 =	sadd.s32 s11, s8;
	s8 =	smax.u32 s10, $0x1;
	s9 =	sadd.s32 $0x280, s7  }
0x10: {  	s10 =	sadd.s32 s11, s13;
	s11 =	sshrl.u32 s29, $0x3;
	s13 =	simm.s32 $0x1400  }
.LBB2_1:
0x11: {  	[spmem:s11], [sflag:s6] =	dma.local [hbm:s4], $0x2800  }
0x12: {  	_ =	swait.ge [sflag:s12], $0x2800  }
0x13: {  	[sflag:s12] =	ssyncset.done $0x0  }
0x14: {  	[sflag:s12] =	ssyncadd.s32 $0xFFFFD800  }
0x15: {  	[tilespmem:s13], [sflag:$0x3] =	stream.linear.gather [hbm4b:s5+s3], $0x4000, $0x38;
	[tilespmem:$0x19400] =	vst v63  }
0x16: {  	_ =	swait.ge [sflag:s12], $0x4000  }
0x17: {  	[sflag:s12] =	ssyncset.done $0x0  }
0x18: {  	[sflag:s12] =	ssyncadd.s32 $0xFFFFC000  }
0x19: {  	[bflag:$0x0] =	sbarrier.arrive $0xFFFF  }
0x1a: {  	[tilespmem:s3], [sflag:$0x3] =	stream.linear.gather [hbm4b:s7+s3], $0x1400, $0x38;
	[tilespmem:$0x19400] =	vst v63  }
0x1b: {  	_ =	swait.ge [sflag:s12], $0x1400  }
0x1c: {  	[sflag:s12] =	ssyncset.done $0x0  }
0x1d: {  	s20 =	simm.s32 $0x0;
	[sflag:s12] =	ssyncadd.s32 $0xFFFFEC00  }
0x1e: {  	[spmem:s1] =	stream.indirect.scatter.add.f32 [tilespmem:s13], [sflag:$0x1], $0x80, s20, s14, $0xb8;
	[tilespmem:$0x19400] =	vst v63  }
0x1f: {  	s31 =	simm.s32 $0x80  }
0x20: {  	[spmem:s1] =	stream.indirect.scatter.add.f32 [tilespmem:s13], [sflag:$0x2], $0x80, s31, s14, $0xb8;
	[tilespmem:$0x19400] =	vst v63  }
0x21: {  	_ =	swait.ge [sflag:s15], $0x4000  }
0x22: {  	[sflag:s15] =	ssyncset.done $0x0  }
0x23: {  	[sflag:s15] =	ssyncadd.s32 $0xFFFFC000  }
0x24: {  	_ =	swait.ge [sflag:s16], $0x4000  }
0x25: {  	s21 =	simm.s32 $0x800;
	s20 =	simm.s32 $0x400;
	[sflag:s16] =	ssyncset.done $0x0  }
.LBB2_2:
0x26: {  	s22 =	sshra.s32 s20, $0x2  }
0x27: {  	[sflag:s16] =	ssyncadd.s32 $0xFFFFC000;
	s20 =	smov.u32 s21;
	s23 =	sadd.s32 $0x400, s21  }
0x28: {  	[spmem:s1] =	stream.indirect.scatter.add.f32 [tilespmem:s13], [sflag:$0x1], $0x80, s22, s14, $0xb8;
	[tilespmem:$0x19400] =	vst v63  }
0x29: {  	p0 =	sne.s32 s21, $0x4800;
	s21 =	sadd.s32 $0x80, s22  }
0x2a: {  	[spmem:s1] =	stream.indirect.scatter.add.f32 [tilespmem:s13], [sflag:$0x2], $0x80, s21, s14, $0xb8;
	[tilespmem:$0x19400] =	vst v63  }
.Ltmp0:
0x2b: {  	_ =	swait.ge [sflag:s15], $0x4000;
	(pc) =	sbr.rel @p0 .LBB2_2-.Ltmp0, $4  }
0x2c: {  	[sflag:s15] =	ssyncset.done $0x0  }
0x2d: {  	[sflag:s15] =	ssyncadd.s32 $0xFFFFC000  }
0x2e: {  	_ =	swait.ge [sflag:s16], $0x4000  }
0x2f: {  	s21 =	smov.u32 s23;
	[sflag:s16] =	ssyncset.done $0x0  }
0x30: {  	s20 =	sshra.s32 s20, $0x2;
	[sflag:s16] =	ssyncadd.s32 $0xFFFFC000  }
0x31: {  	[spmem:s1] =	stream.indirect.scatter.add.f32 [tilespmem:s13], [sflag:$0x1], $0x80, s20, s14, $0xb8;
	[tilespmem:$0x19400] =	vst v63  }
0x32: {  	s20 =	sadd.s32 $0x80, s20  }
0x33: {  	[spmem:s1] =	stream.indirect.scatter.add.f32 [tilespmem:s13], [sflag:$0x2], $0x80, s20, s14, $0xb8;
	[tilespmem:$0x19400] =	vst v63  }
0x34: {  	_ =	swait.ge [sflag:s15], $0x4000  }
0x35: {  	[sflag:s15] =	ssyncset.done $0x0  }
0x36: {  	[sflag:s15] =	ssyncadd.s32 $0xFFFFC000  }
0x37: {  	_ =	swait.ge [sflag:s16], $0x4000  }
0x38: {  	[sflag:s16] =	ssyncset.done $0x0  }
0x39: {  	[sflag:s16] =	ssyncadd.s32 $0xFFFFC000  }
0x3a: {  	[spmem:s1] =	stream.indirect.scatter.add.f32 [tilespmem:s13], [sflag:$0x1], $0x80, s17, s14, $0xb8;
	[tilespmem:$0x19400] =	vst v63  }
0x3b: {  	_ = 	snop  }
0x3c: {  	[spmem:s1] =	stream.indirect.scatter.add.f32 [tilespmem:s13], [sflag:$0x2], $0x80, s18, s14, $0xb8;
	[tilespmem:$0x19400] =	vst v63  }
0x3d: {  	_ =	swait.ge [sflag:s15], $0x4000  }
0x3e: {  	[sflag:s15] =	ssyncset.done $0x0  }
0x3f: {  	[sflag:s15] =	ssyncadd.s32 $0xFFFFC000  }
0x40: {  	_ =	swait.ge [sflag:s16], $0x4000  }
0x41: {  	[sflag:s16] =	ssyncset.done $0x0  }
0x42: {  	s29 =	simm.s32 $0x0;
	[sflag:s16] =	ssyncadd.s32 $0xFFFFC000  }
0x43: {  	[tilespmem:s29], [sflag:$0x3] =	stream.linear.gather [hbm4b:s9+s29], $0x1400, $0x38;
	[tilespmem:$0x19400] =	vst v63  }
0x44: {  	_ =	swait.ge [sflag:s12], $0x1400  }
0x45: {  	[sflag:s12] =	ssyncset.done $0x0  }
0x46: {  	s30 =	simm.s32 $0x0;
	[sflag:s12] =	ssyncadd.s32 $0xFFFFEC00  }
0x47: {  	[spmem:s1] =	stream.indirect.scatter.add.f32 [tilespmem:s13], [sflag:$0x1], $0x80, s30, s14, $0xb8;
	[tilespmem:$0x19400] =	vst v63  }
0x48: {  	s31 =	simm.s32 $0x80  }
0x49: {  	[spmem:s1] =	stream.indirect.scatter.add.f32 [tilespmem:s13], [sflag:$0x2], $0x80, s31, s14, $0xb8;
	[tilespmem:$0x19400] =	vst v63  }
0x4a: {  	_ =	swait.ge [sflag:s15], $0x4000  }
0x4b: {  	[sflag:s15] =	ssyncset.done $0x0  }
0x4c: {  	[sflag:s15] =	ssyncadd.s32 $0xFFFFC000  }
0x4d: {  	_ =	swait.ge [sflag:s16], $0x4000  }
0x4e: {  	s21 =	simm.s32 $0x800;
	s20 =	simm.s32 $0x400;
	[sflag:s16] =	ssyncset.done $0x0  }
.LBB2_4:
0x4f: {  	s22 =	sshra.s32 s20, $0x2  }
0x50: {  	[sflag:s16] =	ssyncadd.s32 $0xFFFFC000;
	s20 =	smov.u32 s21;
	s23 =	sadd.s32 $0x400, s21  }
0x51: {  	[spmem:s1] =	stream.indirect.scatter.add.f32 [tilespmem:s13], [sflag:$0x1], $0x80, s22, s14, $0xb8;
	[tilespmem:$0x19400] =	vst v63  }
0x52: {  	p0 =	sne.s32 s21, $0x4800;
	s21 =	sadd.s32 $0x80, s22  }
0x53: {  	[spmem:s1] =	stream.indirect.scatter.add.f32 [tilespmem:s13], [sflag:$0x2], $0x80, s21, s14, $0xb8;
	[tilespmem:$0x19400] =	vst v63  }
.Ltmp1:
0x54: {  	_ =	swait.ge [sflag:s15], $0x4000;
	(pc) =	sbr.rel @p0 .LBB2_4-.Ltmp1, $4  }
0x55: {  	[sflag:s15] =	ssyncset.done $0x0  }
0x56: {  	[sflag:s15] =	ssyncadd.s32 $0xFFFFC000  }
0x57: {  	_ =	swait.ge [sflag:s16], $0x4000  }
0x58: {  	s21 =	smov.u32 s23;
	[sflag:s16] =	ssyncset.done $0x0  }
0x59: {  	s20 =	sshra.s32 s20, $0x2;
	[sflag:s16] =	ssyncadd.s32 $0xFFFFC000  }
0x5a: {  	[spmem:s1] =	stream.indirect.scatter.add.f32 [tilespmem:s13], [sflag:$0x1], $0x80, s20, s14, $0xb8;
	[tilespmem:$0x19400] =	vst v63  }
0x5b: {  	s20 =	sadd.s32 $0x80, s20  }
0x5c: {  	[spmem:s1] =	stream.indirect.scatter.add.f32 [tilespmem:s13], [sflag:$0x2], $0x80, s20, s14, $0xb8;
	[tilespmem:$0x19400] =	vst v63  }
0x5d: {  	_ =	swait.ge [sflag:s15], $0x4000  }
0x5e: {  	[sflag:s15] =	ssyncset.done $0x0  }
0x5f: {  	[sflag:s15] =	ssyncadd.s32 $0xFFFFC000  }
0x60: {  	_ =	swait.ge [sflag:s16], $0x4000  }
0x61: {  	[sflag:s16] =	ssyncset.done $0x0  }
0x62: {  	[sflag:s16] =	ssyncadd.s32 $0xFFFFC000  }
0x63: {  	[spmem:s1] =	stream.indirect.scatter.add.f32 [tilespmem:s13], [sflag:$0x1], $0x80, s17, s14, $0xb8;
	[tilespmem:$0x19400] =	vst v63  }
0x64: {  	_ = 	snop  }
0x65: {  	[spmem:s1] =	stream.indirect.scatter.add.f32 [tilespmem:s13], [sflag:$0x2], $0x80, s18, s14, $0xb8;
	[tilespmem:$0x19400] =	vst v63  }
0x66: {  	_ =	swait.ge [sflag:s15], $0x4000  }
0x67: {  	[sflag:s15] =	ssyncset.done $0x0  }
0x68: {  	[sflag:s15] =	ssyncadd.s32 $0xFFFFC000  }
0x69: {  	_ =	swait.ge [sflag:s16], $0x4000  }
0x6a: {  	s19 =	sadd.s32 $0x1, s19;
	[sflag:s16] =	ssyncset.done $0x0  }
0x6b: {  	p0 =	sne.s32 s19, s8;
	[sflag:s16] =	ssyncadd.s32 $0xFFFFC000  }
.Ltmp2:
0x6c: {  	[bflag:$0x0] =	sbarrier.arrive $0xFFFF;
	(pc) =	sbr.rel @p0 .LBB2_1-.Ltmp2, $4  }
0x6d: {  	[hbm:s10], [sflag:s6] =	dma.local [spmem:s11], $0x2800  }
0x6e: {  	_ =	swait.ge [sflag:s12], $0x2800  }
0x6f: {  	[sflag:s12] =	ssyncset.done $0x0  }
0x70: {  	[sflag:s12] =	ssyncadd.s32 $0xFFFFD800  }
0x71: {  	_ =	sfence.sel $0x180000  }
0x72: {  	[bflag:$0x0] =	sbarrier.arrive $0xFFFF  }
0x73: {  	p0 =	sne.s32 s2, $0x0;
	_ =	strace $0x9000004A  }
0x74: {  	s0 =	sadd.s32 @!p0 $0x100000, s0;
	[bflag:$0x2] =	sbarrier.arrive $0xFFFF  }
0x75: {  	[sflag:s0] =	ssyncadd.tile.s32 @!p0 $0x1;
	_ =	shalt  }
.Lfunc_end2:
_tile_overlayer_lowered:
.L_overlay_start_2:
0x76: {  	(tag) =	ssettag $0x2  }
0x77: {  	s0 =	rddreg [dreg:$0x0];
	s2 =	stileid.u32  }
0x78: {  	s1 =	rddreg [dreg:$0x1];
	p0 =	sne.s32 s2, $0x0  }
0x79: {  	s3 =	rddreg [dreg:$0x2];
	[bflag:$0x3] =	sbarrier.arrive $0xFFFF;
	s2 =	simm.s32 @!p0 $0x1C03  }
0x7a: {  	[timem:s3], [sflag:s2] =	dma.local @!p0 [hbm:s0], s1  }
0x7b: {  	s0 =	simm.s32 @!p0 $0x3  }
0x7c: {  	_ =	swait.ge @!p0 [sflag:s0], s1  }
0x7d: {  	s1 =	ssub.s32 @!p0 $0x0, s1;
	[sflag:s0] =	ssyncset.done @!p0 $0x0  }
0x7e: {  	[sflag:s0] =	ssyncadd.s32 @!p0 s1  }
0x7f: {  	[bflag:$0x3] =	sbarrier.arrive $0xFFFF  }
0x80: {  	_ =	shalt  }

// kernel: kernel.13.cloned.1.call-start
scs
__scs_entry_jumppad:
0x0: {  	(pc) =	sbr.rel $0x88, $3  }
0x1: {  	(tag) =	ssettag $0x0;
	lr =	simm.s32 $0x1  }
0x2: {  	[smem:$0x3F93] =	sst lr;
	_ =	strace $0xD0000000  }
0x3: {  	_ = 	snop  }
0x4: {  	_ = 	snop  }
0x5: {  	_ = 	snop  }
0x6: {  	_ = 	snop  }
0x7: {  	_ = 	snop  }
__scs_overlays_trampoline_lowered:
0x8: {  	[smem:$0x3FA2] =	sst s0  }
0x9: {  	[smem:$0x3FA3] =	sst s1  }
0xa: {  	[smem:$0x3FA4] =	sst s2  }
0xb: {  	[smem:$0x3FA5] =	sst s3  }
0xc: {  	[smem:$0x3FA6] =	sst s4  }
0xd: {  	[smem:$0x3FA7] =	sst s5  }
0xe: {  	[smem:$0x3FA8] =	sst s6  }
0xf: {  	[smem:$0x3FA9] =	sst s7  }
0x10: {  	[smem:$0x3FAA] =	sst s8  }
0x11: {  	[smem:$0x3FAB] =	sst s9;
	s0 =	simm.s32 @!p0 $0x0  }
0x12: {  	s1 =	sld [smem:$0x3F91];
	s0 =	simm.s32 @p0 $0x1  }
0x13: {  	[smem:$0x3FAC] =	sst s0;
	s0 =	simm.s32 @!p1 $0x0  }
0x14: {  	s2 =	sld [smem:$0x3F90];
	s0 =	simm.s32 @p1 $0x1  }
0x15: {  	[smem:$0x3FAD] =	sst s0;
	s0 =	simm.s32 @!p2 $0x0  }
0x16: {  	s3 =	sld [smem:$0x3FDB];
	s0 =	simm.s32 @p2 $0x1  }
0x17: {  	s4 =	simm.s32 $0x1BF5;
	[smem:$0x3FAF] =	sst s0  }
0x18: {  	s0 =	sld [smem:$0x3F92];
	_ =	swait.ge [sflag:s4], $0x0  }
0x19: {  	s7 =	sld [smem:$0x3F93]  }
0x1a: {  	s8 =	sadd.s32 $0xFFFFE003, lr  }
0x1b: {  	s9 =	sadd.s32 $0xFFFFFEF7, lr;
	s5 =	simm.s32 $0xFFFFFFFF;
	p2 =	slt.u32 s8, $0xFFFFF086  }
0x1c: {  	p1 =	slt.u32 s9, $0xF7A;
	s5 =	simm.s32 @!p2 $0x0  }
0x1d: {  	s5 =	simm.s32 @p1 $0x1;
	p0 =	seq.s32 s7, s2  }
0x1e: {  	s7 =	smul.u32 @!p0 $0xF7A, s2;
	p2 =	seq.s32 @!p0 s5, $0x0  }
0x1f: {  	s9 =	smul.u32 $0xF7A, s1;
	s8 =	simm.s32 @!p0 $0x1BF5;
	p2 =	por !p2, p0  }
0x20: {  	[sflag:s8] =	ssyncset.s32 @!p0 $0xFFFFF086;
	s6 =	sadd.s32 @!p0 s3, s7;
	s7 =	simm.s32 @!p0 $0x108  }
0x21: {  	s3 =	sadd.s32 s3, s9;
	s6 =	sadd.s32 @!p0 $0x88, s6;
	s7 =	simm.s32 @p2 $0x1082  }
0x22: {  	[simem:s7], [sflag:s8] =	dma.local @!p0 [hbm:s6], $0xF7A  }
0x23: {  	s9 =	sor.u32 $0xD0000000, s2;
	s6 =	simm.s32 $0x108;
	_ =	swait.ge @!p0 [sflag:s8], $0x0  }
0x24: {  	s3 =	sadd.s32 $0x88, s3;
	s6 =	simm.s32 @!p1 $0x1082;
	[sflag:s4] =	ssyncset.s32 $0xFFFFF086  }
0x25: {  	[simem:s6], [sflag:s4] =	dma.local [hbm:s3], $0xF7A  }
0x26: {  	[smem:$0x3F93] =	sst s1;
	(tag) =	ssettag s2;
	_ =	strace s9  }
0x27: {  	s1 =	sld [smem:$0x3FA3]  }
0x28: {  	s2 =	sld [smem:$0x3FA4]  }
0x29: {  	s4 =	sld [smem:$0x3FA6]  }
0x2a: {  	p0 =	seq.s32 s5, $0x0;
	s5 =	sld [smem:$0x3FA7]  }
0x2b: {  	s6 =	sld [smem:$0x3FA8]  }
0x2c: {  	s7 =	sld [smem:$0x3FA9]  }
0x2d: {  	s3 =	simm.s32 $0x108;
	s8 =	sld [smem:$0x3FAA]  }
0x2e: {  	s3 =	simm.s32 @!p0 $0x1082;
	s9 =	sld [smem:$0x3FAB]  }
0x2f: {  	lr =	sadd.s32 s0, s3;
	s0 =	sld [smem:$0x3FA2]  }
0x30: {  	s3 =	sld [smem:$0x3FA5]  }
0x31: {  	[smem:$0x3FAE] =	sst s10  }
0x32: {  	s10 =	sld [smem:$0x3FAC];
	_ =	sdelay $0x3  }
0x33: {  	p0 =	seq.s32 s10, $0x1;
	s10 =	sld [smem:$0x3FAE];
	_ =	sdelay $0x3  }
0x34: {  	[smem:$0x3FAE] =	sst s10  }
0x35: {  	s10 =	sld [smem:$0x3FAD];
	_ =	sdelay $0x3  }
0x36: {  	p1 =	seq.s32 s10, $0x1;
	s10 =	sld [smem:$0x3FAE];
	_ =	sdelay $0x3  }
0x37: {  	[smem:$0x3FAE] =	sst s10  }
0x38: {  	s10 =	sld [smem:$0x3FAF]  }
0x39: {  	_ = 	snop;
	(pc) =	sbr.ind lr, $3  }
0x3a: {  	_ = 	snop  }
0x3b: {  	_ = 	snop  }
0x3c: {  	p2 =	seq.s32 s10, $0x1;
	s10 =	sld [smem:$0x3FAE]  }
0x3d: {  	_ =	shalt  }
0x3e: {  	_ =	shalt  }
0x3f: {  	_ =	shalt  }
0x40: {  	_ =	shalt  }
0x41: {  	_ =	shalt  }
0x42: {  	_ =	shalt  }
0x43: {  	_ =	shalt  }
0x44: {  	_ =	shalt  }
0x45: {  	_ =	shalt  }
0x46: {  	_ =	shalt  }
0x47: {  	_ =	shalt  }
0x48: {  	_ =	shalt  }
0x49: {  	_ =	shalt  }
0x4a: {  	_ =	shalt  }
0x4b: {  	_ =	shalt  }
0x4c: {  	_ =	shalt  }
0x4d: {  	_ =	shalt  }
0x4e: {  	_ =	shalt  }
0x4f: {  	_ =	shalt  }
0x50: {  	_ =	shalt  }
0x51: {  	_ =	shalt  }
0x52: {  	_ =	shalt  }
0x53: {  	_ =	shalt  }
0x54: {  	_ =	shalt  }
0x55: {  	_ =	shalt  }
0x56: {  	_ =	shalt  }
0x57: {  	_ =	shalt  }
0x58: {  	_ =	shalt  }
0x59: {  	_ =	shalt  }
0x5a: {  	_ =	shalt  }
0x5b: {  	_ =	shalt  }
0x5c: {  	_ =	shalt  }
0x5d: {  	_ =	shalt  }
0x5e: {  	_ =	shalt  }
0x5f: {  	_ =	shalt  }
0x60: {  	_ =	shalt  }
0x61: {  	_ =	shalt  }
0x62: {  	_ =	shalt  }
0x63: {  	_ =	shalt  }
0x64: {  	_ =	shalt  }
0x65: {  	_ =	shalt  }
0x66: {  	_ =	shalt  }
0x67: {  	_ =	shalt  }
0x68: {  	_ =	shalt  }
0x69: {  	_ =	shalt  }
0x6a: {  	_ =	shalt  }
0x6b: {  	_ =	shalt  }
0x6c: {  	_ =	shalt  }
0x6d: {  	_ =	shalt  }
0x6e: {  	_ =	shalt  }
0x6f: {  	_ =	shalt  }
0x70: {  	_ =	shalt  }
0x71: {  	_ =	shalt  }
0x72: {  	_ =	shalt  }
0x73: {  	_ =	shalt  }
0x74: {  	_ =	shalt  }
0x75: {  	_ =	shalt  }
0x76: {  	_ =	shalt  }
0x77: {  	_ =	shalt  }
0x78: {  	_ =	shalt  }
0x79: {  	_ =	shalt  }
0x7a: {  	_ =	shalt  }
0x7b: {  	_ =	shalt  }
0x7c: {  	_ =	shalt  }
0x7d: {  	_ =	shalt  }
0x7e: {  	_ =	shalt  }
0x7f: {  	_ =	shalt  }
0x80: {  	_ =	shalt  }
0x81: {  	_ =	shalt  }
0x82: {  	_ =	shalt  }
0x83: {  	_ =	shalt  }
0x84: {  	_ =	shalt  }
0x85: {  	_ =	shalt  }
0x86: {  	_ =	shalt  }
0x87: {  	_ =	shalt  }
.Lfunc_end0:
.L_simem_size_0:
called_computation.2_lowered:
.L_overlay_start_0:
0x88: {  	s2 =	sld [smem:$0x3FD9]  }
0x89: {  	s3 =	sld [smem:$0x3FFE];
	_ =	sdelay $0x1  }
0x8a: {  	s1 =	srdreg.scid  }
0x8b: {  	s0 =	sand.u32 $0x1, s1  }
0x8c: {  	s17 =	sshll.u32 s0, $0xA;
	s2 =	sadd.s32 s3, s2  }
0x8d: {  	s2 =	sadd.s32 s2, s17  }
0x8e: {  	[smem:$0x3FBA] =	sst s2  }
0x8f: {  	_ = 	snop  }
0x90: {  	s2 =	sld [smem:$0x3FD0];
	(tm) =	ssettm $0x1  }
0x91: {  	s18 =	sld [smem:$0x3FFB];
	_ =	sdelay $0x3  }
0x92: {  	_ =	strace s18  }
0x93: {  	s3 =	sld [smem:$0x3FFC];
	_ =	sdelay $0x3  }
0x94: {  	_ =	strace s3  }
0x95: {  	s3 =	sld [smem:$0x3FFD];
	_ =	sdelay $0x3  }
0x96: {  	_ =	strace s3  }
0x97: {  	_ =	strace $0x8FFFFFFF  }
0x98: {  	s19 =	sld [smem:$0x3FDB];
	_ =	sdelay $0x1  }
0x99: {  	s4 =	simm.s32 $_scs_section_size  }
0x9a: {  	s5 =	simm.s32 $_size__tile_overlayer_lowered;
	s6 =	simm.s32 $_tile_overlayer_lowered  }
0x9b: {  	s22 =	simm.s32 $0x1BFF;
	s21 =	sshll.u32 s6, $0x1;
	s3 =	sadd.s32 s4, s19  }
0x9c: {  	s7 =	simm.s32 $0x0;
	s20 =	sshll.u32 s5, $0x1;
	s5 =	sadd.s32 s21, s3  }
0x9d: {  	[timem:s7], [sflag:s22] =	dma.local [hbm:s5], s20  }
0x9e: {  	_ =	swait.ge [sflag:s22], s20  }
0x9f: {  	s4 =	ssub.s32 $0x0, s20;
	[sflag:s22] =	ssyncset.done $0x0  }
0xa0: {  	[sflag:s22] =	ssyncadd.s32 s4;
	_ =	sdelay $0x1  }
0xa1: {  	s23 =	simm.s32 $0x1B8B  }
0xa2: {  	_ =	swait.ge [sflag:s23], $0x1  }
0xa3: {  	[sflag:s23] =	ssyncset.done $0x0  }
0xa4: {  	s25 =	simm.s32 $0x1B8E;
	s24 =	sld [smem:$0x3FFE];
	[sflag:s23] =	ssyncadd.s32 $0xFFFFFFFF  }
0xa5: {  	s26 =	simm.s32 $execute0_lowered;
	[smem:$0x3FD2] =	sst s25  }
0xa6: {  	s5 =	sshll.u32 s26, $0x1;
	_ =	strace $0x8000004C;
	[dreg:$0x1] =	wrdreg $0xFFFFFFFF  }
0xa7: {  	s28 =	simm.s32 $_size_execute0_lowered;
	s3 =	sadd.s32 s3, s5;
	[dreg:$0x0] =	wrdreg $0x0  }
0xa8: {  	s5 =	sshll.u32 s28, $0x1;
	[dreg:$0x2] =	wrdreg s3  }
0xa9: {  	[dreg:$0x3] =	wrdreg s5  }
0xaa: {  	[dreg:$0x4] =	wrdreg $0xC0  }
0xab: {  	_ =	task [dreg:s7], $0x5FFFF  }
0xac: {  	[dreg:$0x1] =	wrdreg $0xFFFFFFFF  }
0xad: {  	[dreg:$0x0] =	wrdreg $0x60  }
0xae: {  	[dreg:$0x2] =	wrdreg s24  }
0xaf: {  	[dreg:$0x3] =	wrdreg s2  }
0xb0: {  	[dreg:$0x4] =	wrdreg $0xA8000  }
0xb1: {  	[dreg:$0x5] =	wrdreg $0x9  }
0xb2: {  	_ =	task.clear_ibuf [dreg:s7], $0x6FFFF;
	_ =	strace $0x9000004C  }
0xb3: {  	s29 =	simm.s32 $0x9;
	_ =	strace $0x8000004E  }
0xb4: {  	_ =	swait.ge [sflag:s29], $0x1  }
0xb5: {  	[sflag:s29] =	ssyncadd.s32 $0xFFFFFFFF  }
0xb6: {  	_ =	strace $0x9000004E  }
0xb7: {  	_ =	sfence  }
0xb8: {  	s30 =	sld [smem:$0x0];
	_ =	sdelay $0x2  }
0xb9: {  	s31 =	sshll.u32 s1, $0xD;
	s1 =	sshrl.u32 s1, $0x2  }
0xba: {  	s3 =	sand.u32 $0x4000, s31;
	s1 =	sadd.s32 s1, s30  }
0xbb: {  	s0 =	sor.u32 s3, s0;
	s1 =	sshll.u32 s1, $0x11  }
0xbc: {  	s0 =	sor.u32 s1, s0  }
0xbd: {  	s0 =	sadd.s32 $0x8F2B, s0  }
0xbe: {  	[sflag:s0] =	ssyncadd.remote.s32 $0x1  }
0xbf: {  	_ =	sfence.sel $0xFFFF  }
0xc0: {  	[dreg:$0x0] =	wrdreg $0xFFFFFFFF;
	(pc) =	sbr.abs _section_cstart, $3  }
0xc1: {  	[dreg:$0x1] =	wrdreg $0xFFFFFFFF  }
0xc2: {  	_ =	task.clear_ibuf [dreg:s7], $0x2FFFF;
	_ =	strace $0x9FFFFFFF  }
0xc3: {  	(tm) =	ssettm $0x7FFFFFFF  }
tec
execute0_lowered:
.L_overlay_start_1:
0x0: {  	(tag) =	ssettag $0x1  }
0x1: {  	s10 =	rddreg [dreg:$0x0]  }
0x2: {  	s1 =	rddreg [dreg:$0x1]  }
0x3: {  	s2 =	rddreg [dreg:$0x2]  }
0x4: {  	s3 =	simm.s32 $0x0;
	s7 =	srdreg.scid;
	s4 =	stileid.u32  }
0x5: {  	s17 =	simm.s32 $0x1400;
	s18 =	simm.s32 $0x80;
	s19 =	simm.s32 $0x2800  }
0x6: {  	s20 =	simm.s32 $0x6800;
	s21 =	simm.s32 $0x1;
	s22 =	simm.s32 $0x2  }
0x7: {  	s23 =	simm.s32 $0x1380;
	s24 =	simm.s32 $0x2700;
	s25 =	simm.s32 $0x2780  }
0x8: {  	[smem:$0x7FF] =	sst s3;
	s5 =	sadd.s32 $0x5EA00, s10;
	s6 =	sadd.s32 $0x85C00, s10  }
0x9: {  	s15 =	sand.u32 $0x1, s7;
	s7 =	sadd.s32 $0x3E00, s10;
	s12 =	smul.u32 $0x50000, s4  }
0xa: {  	s8 =	sadd.s32 $0xDE00, s10;
	s9 =	sadd.s32 $0xACE00, s10;
	s10 =	sadd.s32 $0xD4E00, s10  }
.Ltmp0:
0xb: {  	s31 =	sshll.u32 s4, $0x6;
	s11 =	ssub.s32 $0x2, s15;
	(pc) =	sbr.rel .LBB2_1-.Ltmp0, $4  }
0xc: {  	_ =	strace $0x8000004D;
	p0 =	sne.s32 s15, $0x0;
	s13 =	sshrl.u32 s11, $0x1  }
0xd: {  	s30 =	sshrl.u32 s12, $0x2;
	s14 =	ssub.s32 s11, s13;
	s11 =	smul.u32 $0xA0, s4  }
0xe: {  	s12 =	sor.u32 $0x1C03, s31;
	s16 =	sadd.s32 s30, s2;
	s13 =	smul.u32 $0x2800, s4  }
0xf: {  	s14 =	smax.u32 s14, $0x1;
	s15 =	sshrl.u32 s16, $0x3;
	s16 =	simm.s32 $0x3  }
.LBB2_10:
0x10: {  	s3 =	sadd.s32 $0x1, s3  }
0x11: {  	p1 =	sne.s32 s3, s14  }
.Ltmp1:
0x12: {  	s0 =	sadd.s32 s26, s13;
	[bflag:$0x0] =	sbarrier.arrive $0xFFFF;
	(pc) =	sbr.rel @!p1 .LBB2_11-.Ltmp1, $4  }
0x13: {  	[hbm:s0], [sflag:s12] =	dma.local [spmem:s15], $0x2800  }
0x14: {  	_ =	swait.ge [sflag:s16], $0x2800  }
0x15: {  	[sflag:s16] =	ssyncset.done $0x0  }
0x16: {  	[sflag:s16] =	ssyncadd.s32 $0xFFFFD800  }
.LBB2_1:
0x17: {  	[spmem:s15], [sflag:s12] =	dma.local [hbm:s8], $0x2800  }
.Ltmp2:
0x18: {  	_ =	swait.ge [sflag:s16], $0x2800;
	(pc) =	sbr.rel @p0 .LBB2_6-.Ltmp2, $4  }
0x19: {  	[sflag:s16] =	ssyncset.done $0x0  }
0x1a: {  	[sflag:s16] =	ssyncadd.s32 $0xFFFFD800  }
0x1b: {  	[bflag:$0x0] =	sbarrier.arrive $0xFFFF  }
0x1c: {  	s26 =	simm.s32 $0x0;
	s28 =	simm.s32 $0x0  }
.LBB2_2:
0x1d: {  	s28 =	smul.u32 $0x28, s26;
	_ =	sdelay $0x1  }
0x1e: {  	s28 =	sadd.s32 s11, s28  }
0x1f: {  	s28 =	sshll.u32 s28, $0x4  }
0x20: {  	s30 =	simm.s32 $0x0;
	s29 =	sadd.s32 s7, s28  }
0x21: {  	[tilespmem:s30], [sflag:$0x3] =	stream.linear.gather [hbm4b:s29+s30], $0x1400, $0x38;
	[tilespmem:$0x1E800] =	vst v63  }
0x22: {  	_ =	swait.ge [sflag:s16], $0x1400  }
0x23: {  	[sflag:s16] =	ssyncset.done $0x0  }
0x24: {  	s28 =	sadd.s32 s1, s28;
	[sflag:s16] =	ssyncadd.s32 $0xFFFFEC00  }
0x25: {  	[tilespmem:s17], [sflag:$0x3] =	stream.linear.gather [hbm4b:s28+s30], $0x1400, $0x38;
	[tilespmem:$0x1E800] =	vst v63  }
0x26: {  	_ =	swait.ge [sflag:s16], $0x1400  }
0x27: {  	[sflag:s16] =	ssyncset.done $0x0  }
0x28: {  	[sflag:s16] =	ssyncadd.s32 $0xFFFFEC00  }
0x29: {  	[tilespmem:s19], [sflag:$0x1] =	stream.indirect.gather [hbm4b:s5+s18], $0x80, s30, s18, $0xb8;
	[tilespmem:$0x1E800] =	vst v63  }
0x2a: {  	s28 =	simm.s32 $0x80  }
0x2b: {  	[tilespmem:s20], [sflag:$0x2] =	stream.indirect.gather [hbm4b:s5+s18], $0x80, s28, s18, $0xb8;
	[tilespmem:$0x1E800] =	vst v63  }
0x2c: {  	_ =	swait.ge [sflag:s21], $0x4000  }
0x2d: {  	[sflag:s21] =	ssyncset.done $0x0  }
0x2e: {  	s28 =	simm.s32 $0x1400;
	[sflag:s21] =	ssyncadd.s32 $0xFFFFC000  }
0x2f: {  	[spmem:s2] =	stream.indirect.scatter.add.f32 [tilespmem:s19], [sflag:$0x3], $0x80, s28, s18, $0xb8;
	[tilespmem:$0x1E800] =	vst v63  }
0x30: {  	_ =	swait.ge [sflag:s16], $0x4000  }
0x31: {  	[sflag:s16] =	ssyncset.done $0x0  }
0x32: {  	s28 =	simm.s32 $0x100;
	[sflag:s16] =	ssyncadd.s32 $0xFFFFC000  }
0x33: {  	[tilespmem:s19], [sflag:$0x1] =	stream.indirect.gather [hbm4b:s5+s18], $0x80, s28, s18, $0xb8;
	[tilespmem:$0x1E800] =	vst v63  }
0x34: {  	_ =	swait.ge [sflag:s22], $0x4000  }
0x35: {  	[sflag:s22] =	ssyncset.done $0x0  }
0x36: {  	s28 =	simm.s32 $0x1480;
	[sflag:s22] =	ssyncadd.s32 $0xFFFFC000  }
0x37: {  	[spmem:s2] =	stream.indirect.scatter.add.f32 [tilespmem:s20], [sflag:$0x3], $0x80, s28, s18, $0xb8;
	[tilespmem:$0x1E800] =	vst v63  }
0x38: {  	_ =	swait.ge [sflag:s16], $0x4000  }
0x39: {  	s29 =	simm.s32 $0x800;
	s28 =	simm.s32 $0x100;
	[sflag:s16] =	ssyncset.done $0x0  }
.LBB2_3:
0x3a: {  	s30 =	sadd.s32 $0x80, s28  }
0x3b: {  	[sflag:s16] =	ssyncadd.s32 $0xFFFFC000;
	s31 =	smov.u32 s29;
	s0 =	sadd.s32 $0x400, s29  }
0x3c: {  	[tilespmem:s20], [sflag:$0x2] =	stream.indirect.gather [hbm4b:s5+s18], $0x80, s30, s18, $0xb8;
	[tilespmem:$0x1E800] =	vst v63  }
0x3d: {  	p1 =	sne.s32 s29, $0x4800;
	_ =	swait.ge [sflag:s21], $0x4000  }
0x3e: {  	[sflag:s21] =	ssyncset.done $0x0  }
0x3f: {  	s29 =	sadd.s32 $0x1400, s28;
	[sflag:s21] =	ssyncadd.s32 $0xFFFFC000  }
0x40: {  	[spmem:s2] =	stream.indirect.scatter.add.f32 [tilespmem:s19], [sflag:$0x3], $0x80, s29, s18, $0xb8;
	[tilespmem:$0x1E800] =	vst v63  }
0x41: {  	_ =	swait.ge [sflag:s16], $0x4000  }
0x42: {  	[sflag:s16] =	ssyncset.done $0x0  }
0x43: {  	s29 =	sadd.s32 $0x100, s28;
	[sflag:s16] =	ssyncadd.s32 $0xFFFFC000  }
0x44: {  	[tilespmem:s19], [sflag:$0x1] =	stream.indirect.gather [hbm4b:s5+s18], $0x80, s29, s18, $0xb8;
	[tilespmem:$0x1E800] =	vst v63  }
0x45: {  	_ =	swait.ge [sflag:s22], $0x4000  }
.Ltmp3:
0x46: {  	[sflag:s22] =	ssyncset.done $0x0;
	(pc) =	sbr.rel @p1 .LBB2_3-.Ltmp3, $4  }
0x47: {  	s28 =	sadd.s32 $0x1480, s28;
	[sflag:s22] =	ssyncadd.s32 $0xFFFFC000  }
0x48: {  	[spmem:s2] =	stream.indirect.scatter.add.f32 [tilespmem:s20], [sflag:$0x3], $0x80, s28, s18, $0xb8;
	[tilespmem:$0x1E800] =	vst v63  }
0x49: {  	_ =	swait.ge [sflag:s16], $0x4000  }
0x4a: {  	s29 =	smov.u32 s0;
	s28 =	sshra.s32 s31, $0x2;
	[sflag:s16] =	ssyncset.done $0x0  }
0x4b: {  	s0 =	sadd.s32 $0x80, s28;
	[sflag:s16] =	ssyncadd.s32 $0xFFFFC000  }
0x4c: {  	[tilespmem:s20], [sflag:$0x2] =	stream.indirect.gather [hbm4b:s5+s18], $0x80, s0, s18, $0xb8;
	[tilespmem:$0x1E800] =	vst v63  }
0x4d: {  	_ =	swait.ge [sflag:s21], $0x4000  }
0x4e: {  	[sflag:s21] =	ssyncset.done $0x0  }
0x4f: {  	s29 =	sadd.s32 $0x1400, s28;
	[sflag:s21] =	ssyncadd.s32 $0xFFFFC000  }
0x50: {  	[spmem:s2] =	stream.indirect.scatter.add.f32 [tilespmem:s19], [sflag:$0x3], $0x80, s29, s18, $0xb8;
	[tilespmem:$0x1E800] =	vst v63  }
0x51: {  	_ =	swait.ge [sflag:s16], $0x4000  }
0x52: {  	[sflag:s16] =	ssyncset.done $0x0  }
0x53: {  	s30 =	sadd.s32 $0x100, s28;
	[sflag:s16] =	ssyncadd.s32 $0xFFFFC000  }
0x54: {  	[tilespmem:s19], [sflag:$0x1] =	stream.indirect.gather [hbm4b:s5+s18], $0x80, s30, s18, $0xb8;
	[tilespmem:$0x1E800] =	vst v63  }
0x55: {  	_ =	swait.ge [sflag:s22], $0x4000  }
0x56: {  	[sflag:s22] =	ssyncset.done $0x0  }
0x57: {  	s31 =	sadd.s32 $0x1480, s28;
	[sflag:s22] =	ssyncadd.s32 $0xFFFFC000  }
0x58: {  	[spmem:s2] =	stream.indirect.scatter.add.f32 [tilespmem:s20], [sflag:$0x3], $0x80, s31, s18, $0xb8;
	[tilespmem:$0x1E800] =	vst v63  }
0x59: {  	_ =	swait.ge [sflag:s16], $0x4000  }
0x5a: {  	[sflag:s16] =	ssyncset.done $0x0  }
0x5b: {  	[sflag:s16] =	ssyncadd.s32 $0xFFFFC000  }
0x5c: {  	[tilespmem:s20], [sflag:$0x2] =	stream.indirect.gather [hbm4b:s5+s18], $0x80, s23, s18, $0xb8;
	[tilespmem:$0x1E800] =	vst v63  }
0x5d: {  	_ =	swait.ge [sflag:s21], $0x4000  }
0x5e: {  	[sflag:s21] =	ssyncset.done $0x0  }
0x5f: {  	[sflag:s21] =	ssyncadd.s32 $0xFFFFC000  }
0x60: {  	[spmem:s2] =	stream.indirect.scatter.add.f32 [tilespmem:s19], [sflag:$0x3], $0x80, s24, s18, $0xb8;
	[tilespmem:$0x1E800] =	vst v63  }
0x61: {  	_ =	swait.ge [sflag:s16], $0x4000  }
0x62: {  	[sflag:s16] =	ssyncset.done $0x0  }
0x63: {  	[sflag:s16] =	ssyncadd.s32 $0xFFFFC000  }
0x64: {  	s26 =	sadd.s32 $0x1, s26;
	_ =	swait.ge [sflag:s22], $0x4000  }
0x65: {  	p1 =	seq.s32 s26, $0x4;
	[sflag:s22] =	ssyncset.done $0x0  }
.Ltmp4:
0x66: {  	[sflag:s22] =	ssyncadd.s32 $0xFFFFC000;
	(pc) =	sbr.rel @!p1 .LBB2_2-.Ltmp4, $4  }
0x67: {  	[spmem:s2] =	stream.indirect.scatter.add.f32 [tilespmem:s20], [sflag:$0x3], $0x80, s25, s18, $0xb8;
	[tilespmem:$0x1E800] =	vst v63  }
0x68: {  	_ =	swait.ge [sflag:s16], $0x4000  }
0x69: {  	[sflag:s16] =	ssyncset.done $0x0  }
0x6a: {  	[sflag:s16] =	ssyncadd.s32 $0xFFFFC000  }
.Ltmp5:
0x6b: {  	(pc) =	sbr.rel .LBB2_10-.Ltmp5, $2  }
0x6c: {  	_ =	sdelay $0x2  }
0x6d: {  	s26 =	smov.u32 s9  }
.LBB2_6:
0x6e: {  	s0 =	smul.u32 $0x28, s28;
	_ =	sdelay $0x1  }
0x6f: {  	s0 =	sadd.s32 s11, s0  }
0x70: {  	s0 =	sshll.u32 s0, $0x4  }
0x71: {  	s29 =	simm.s32 $0x0;
	s26 =	sadd.s32 s7, s0  }
0x72: {  	[tilespmem:s29], [sflag:$0x3] =	stream.linear.gather [hbm4b:s26+s29], $0x1400, $0x38;
	[tilespmem:$0x1E800] =	vst v63  }
0x73: {  	_ =	swait.ge [sflag:s16], $0x1400  }
0x74: {  	[sflag:s16] =	ssyncset.done $0x0  }
0x75: {  	s0 =	sadd.s32 s1, s0;
	[sflag:s16] =	ssyncadd.s32 $0xFFFFEC00  }
0x76: {  	[tilespmem:s17], [sflag:$0x3] =	stream.linear.gather [hbm4b:s0+s29], $0x1400, $0x38;
	[tilespmem:$0x1E800] =	vst v63  }
0x77: {  	_ =	swait.ge [sflag:s16], $0x1400  }
0x78: {  	[sflag:s16] =	ssyncset.done $0x0  }
0x79: {  	[sflag:s16] =	ssyncadd.s32 $0xFFFFEC00  }
0x7a: {  	[tilespmem:s19], [sflag:$0x1] =	stream.indirect.gather [hbm4b:s6+s18], $0x80, s29, s18, $0xb8;
	[tilespmem:$0x1E800] =	vst v63  }
0x7b: {  	s31 =	simm.s32 $0x80  }
0x7c: {  	[tilespmem:s20], [sflag:$0x2] =	stream.indirect.gather [hbm4b:s6+s18], $0x80, s31, s18, $0xb8;
	[tilespmem:$0x1E800] =	vst v63  }
0x7d: {  	_ =	swait.ge [sflag:s21], $0x4000  }
0x7e: {  	[sflag:s21] =	ssyncset.done $0x0  }
0x7f: {  	s26 =	simm.s32 $0x1400;
	[sflag:s21] =	ssyncadd.s32 $0xFFFFC000  }
0x80: {  	[spmem:s2] =	stream.indirect.scatter.add.f32 [tilespmem:s19], [sflag:$0x3], $0x80, s26, s18, $0xb8;
	[tilespmem:$0x1E800] =	vst v63  }
0x81: {  	_ =	swait.ge [sflag:s16], $0x4000  }
0x82: {  	[sflag:s16] =	ssyncset.done $0x0  }
0x83: {  	s30 =	simm.s32 $0x100;
	[sflag:s16] =	ssyncadd.s32 $0xFFFFC000  }
0x84: {  	[tilespmem:s19], [sflag:$0x1] =	stream.indirect.gather [hbm4b:s6+s18], $0x80, s30, s18, $0xb8;
	[tilespmem:$0x1E800] =	vst v63  }
0x85: {  	_ =	swait.ge [sflag:s22], $0x4000  }
0x86: {  	[sflag:s22] =	ssyncset.done $0x0  }
0x87: {  	s31 =	simm.s32 $0x1480;
	[sflag:s22] =	ssyncadd.s32 $0xFFFFC000  }
0x88: {  	[spmem:s2] =	stream.indirect.scatter.add.f32 [tilespmem:s20], [sflag:$0x3], $0x80, s31, s18, $0xb8;
	[tilespmem:$0x1E800] =	vst v63  }
0x89: {  	_ =	swait.ge [sflag:s16], $0x4000  }
0x8a: {  	s29 =	simm.s32 $0x800;
	s26 =	simm.s32 $0x100;
	[sflag:s16] =	ssyncset.done $0x0  }
.LBB2_7:
0x8b: {  	s0 =	sadd.s32 $0x80, s26  }
0x8c: {  	[sflag:s16] =	ssyncadd.s32 $0xFFFFC000;
	s30 =	smov.u32 s29;
	s31 =	sadd.s32 $0x400, s29  }
0x8d: {  	[tilespmem:s20], [sflag:$0x2] =	stream.indirect.gather [hbm4b:s6+s18], $0x80, s0, s18, $0xb8;
	[tilespmem:$0x1E800] =	vst v63  }
0x8e: {  	p1 =	sne.s32 s29, $0x4800;
	_ =	swait.ge [sflag:s21], $0x4000  }
0x8f: {  	[sflag:s21] =	ssyncset.done $0x0  }
0x90: {  	s0 =	sadd.s32 $0x1400, s26;
	[sflag:s21] =	ssyncadd.s32 $0xFFFFC000  }
0x91: {  	[spmem:s2] =	stream.indirect.scatter.add.f32 [tilespmem:s19], [sflag:$0x3], $0x80, s0, s18, $0xb8;
	[tilespmem:$0x1E800] =	vst v63  }
0x92: {  	_ =	swait.ge [sflag:s16], $0x4000  }
0x93: {  	[sflag:s16] =	ssyncset.done $0x0  }
0x94: {  	s0 =	sadd.s32 $0x100, s26;
	[sflag:s16] =	ssyncadd.s32 $0xFFFFC000  }
0x95: {  	[tilespmem:s19], [sflag:$0x1] =	stream.indirect.gather [hbm4b:s6+s18], $0x80, s0, s18, $0xb8;
	[tilespmem:$0x1E800] =	vst v63  }
0x96: {  	_ =	swait.ge [sflag:s22], $0x4000  }
.Ltmp6:
0x97: {  	[sflag:s22] =	ssyncset.done $0x0;
	(pc) =	sbr.rel @p1 .LBB2_7-.Ltmp6, $4  }
0x98: {  	s0 =	sadd.s32 $0x1480, s26;
	[sflag:s22] =	ssyncadd.s32 $0xFFFFC000  }
0x99: {  	[spmem:s2] =	stream.indirect.scatter.add.f32 [tilespmem:s20], [sflag:$0x3], $0x80, s0, s18, $0xb8;
	[tilespmem:$0x1E800] =	vst v63  }
0x9a: {  	_ =	swait.ge [sflag:s16], $0x4000  }
0x9b: {  	s29 =	smov.u32 s31;
	s26 =	sshra.s32 s30, $0x2;
	[sflag:s16] =	ssyncset.done $0x0  }
0x9c: {  	s0 =	sadd.s32 $0x80, s26;
	[sflag:s16] =	ssyncadd.s32 $0xFFFFC000  }
0x9d: {  	[tilespmem:s20], [sflag:$0x2] =	stream.indirect.gather [hbm4b:s6+s18], $0x80, s0, s18, $0xb8;
	[tilespmem:$0x1E800] =	vst v63  }
0x9e: {  	_ =	swait.ge [sflag:s21], $0x4000  }
0x9f: {  	[sflag:s21] =	ssyncset.done $0x0  }
0xa0: {  	s29 =	sadd.s32 $0x1400, s26;
	[sflag:s21] =	ssyncadd.s32 $0xFFFFC000  }
0xa1: {  	[spmem:s2] =	stream.indirect.scatter.add.f32 [tilespmem:s19], [sflag:$0x3], $0x80, s29, s18, $0xb8;
	[tilespmem:$0x1E800] =	vst v63  }
0xa2: {  	_ =	swait.ge [sflag:s16], $0x4000  }
0xa3: {  	[sflag:s16] =	ssyncset.done $0x0  }
0xa4: {  	s30 =	sadd.s32 $0x100, s26;
	[sflag:s16] =	ssyncadd.s32 $0xFFFFC000  }
0xa5: {  	[tilespmem:s19], [sflag:$0x1] =	stream.indirect.gather [hbm4b:s6+s18], $0x80, s30, s18, $0xb8;
	[tilespmem:$0x1E800] =	vst v63  }
0xa6: {  	_ =	swait.ge [sflag:s22], $0x4000  }
0xa7: {  	[sflag:s22] =	ssyncset.done $0x0  }
0xa8: {  	s31 =	sadd.s32 $0x1480, s26;
	[sflag:s22] =	ssyncadd.s32 $0xFFFFC000  }
0xa9: {  	[spmem:s2] =	stream.indirect.scatter.add.f32 [tilespmem:s20], [sflag:$0x3], $0x80, s31, s18, $0xb8;
	[tilespmem:$0x1E800] =	vst v63  }
0xaa: {  	_ =	swait.ge [sflag:s16], $0x4000  }
0xab: {  	[sflag:s16] =	ssyncset.done $0x0  }
0xac: {  	[sflag:s16] =	ssyncadd.s32 $0xFFFFC000  }
0xad: {  	[tilespmem:s20], [sflag:$0x2] =	stream.indirect.gather [hbm4b:s6+s18], $0x80, s23, s18, $0xb8;
	[tilespmem:$0x1E800] =	vst v63  }
0xae: {  	_ =	swait.ge [sflag:s21], $0x4000  }
0xaf: {  	[sflag:s21] =	ssyncset.done $0x0  }
0xb0: {  	[sflag:s21] =	ssyncadd.s32 $0xFFFFC000  }
0xb1: {  	[spmem:s2] =	stream.indirect.scatter.add.f32 [tilespmem:s19], [sflag:$0x3], $0x80, s24, s18, $0xb8;
	[tilespmem:$0x1E800] =	vst v63  }
0xb2: {  	_ =	swait.ge [sflag:s16], $0x4000  }
0xb3: {  	[sflag:s16] =	ssyncset.done $0x0  }
0xb4: {  	[sflag:s16] =	ssyncadd.s32 $0xFFFFC000  }
0xb5: {  	s28 =	sadd.s32 $0x1, s28;
	_ =	swait.ge [sflag:s22], $0x4000  }
0xb6: {  	p1 =	sne.s32 s28, $0x4;
	[sflag:s22] =	ssyncset.done $0x0  }
.Ltmp7:
0xb7: {  	[sflag:s22] =	ssyncadd.s32 $0xFFFFC000;
	(pc) =	sbr.rel @p1 .LBB2_6-.Ltmp7, $4  }
0xb8: {  	[spmem:s2] =	stream.indirect.scatter.add.f32 [tilespmem:s20], [sflag:$0x3], $0x80, s25, s18, $0xb8;
	[tilespmem:$0x1E800] =	vst v63  }
0xb9: {  	_ =	swait.ge [sflag:s16], $0x4000  }
0xba: {  	[sflag:s16] =	ssyncset.done $0x0  }
0xbb: {  	[sflag:s16] =	ssyncadd.s32 $0xFFFFC000  }
.Ltmp8:
0xbc: {  	(pc) =	sbr.rel .LBB2_10-.Ltmp8, $2  }
0xbd: {  	_ =	sdelay $0x2  }
0xbe: {  	s26 =	smov.u32 s10  }
.LBB2_11:
0xbf: {  	_ =	sfence.sel $0x180000  }
0xc0: {  	[bflag:$0x0] =	sbarrier.arrive $0xFFFF  }
0xc1: {  	_ =	strace $0x9000004D  }
0xc2: {  	[bflag:$0x2] =	sbarrier.arrive $0xFFFF  }
0xc3: {  	p0 =	sne.s32 s4, $0x0;
	s0 =	rddreg [dreg:$0x3]  }
0xc4: {  	s0 =	sadd.s32 @!p0 $0x100000, s0  }
0xc5: {  	[sflag:s0] =	ssyncadd.tile.s32 @!p0 $0x1;
	_ =	shalt  }
.Lfunc_end2:
_tile_overlayer_lowered:
.L_overlay_start_2:
0xc6: {  	(tag) =	ssettag $0x2  }
0xc7: {  	s0 =	rddreg [dreg:$0x0];
	s2 =	stileid.u32  }
0xc8: {  	s1 =	rddreg [dreg:$0x1];
	p0 =	sne.s32 s2, $0x0  }
0xc9: {  	s3 =	rddreg [dreg:$0x2];
	[bflag:$0x3] =	sbarrier.arrive $0xFFFF;
	s2 =	simm.s32 @!p0 $0x1C03  }
0xca: {  	[timem:s3], [sflag:s2] =	dma.local @!p0 [hbm:s0], s1  }
0xcb: {  	s0 =	simm.s32 @!p0 $0x3  }
0xcc: {  	_ =	swait.ge @!p0 [sflag:s0], s1  }
0xcd: {  	s1 =	ssub.s32 @!p0 $0x0, s1;
	[sflag:s0] =	ssyncset.done @!p0 $0x0  }
0xce: {  	[sflag:s0] =	ssyncadd.s32 @!p0 s1  }
0xcf: {  	[bflag:$0x3] =	sbarrier.arrive $0xFFFF  }
0xd0: {  	_ =	shalt  }

// kernel: kernel.7.cloned.1.call-start
scs
__scs_entry_jumppad:
0x0: {  	(pc) =	sbr.rel $0x88, $3  }
0x1: {  	(tag) =	ssettag $0x0;
	lr =	simm.s32 $0x1  }
0x2: {  	[smem:$0x3F93] =	sst lr;
	_ =	strace $0xD0000000  }
0x3: {  	_ = 	snop  }
0x4: {  	_ = 	snop  }
0x5: {  	_ = 	snop  }
0x6: {  	_ = 	snop  }
0x7: {  	_ = 	snop  }
__scs_overlays_trampoline_lowered:
0x8: {  	[smem:$0x3FA2] =	sst s0  }
0x9: {  	[smem:$0x3FA3] =	sst s1  }
0xa: {  	[smem:$0x3FA4] =	sst s2  }
0xb: {  	[smem:$0x3FA5] =	sst s3  }
0xc: {  	[smem:$0x3FA6] =	sst s4  }
0xd: {  	[smem:$0x3FA7] =	sst s5  }
0xe: {  	[smem:$0x3FA8] =	sst s6  }
0xf: {  	[smem:$0x3FA9] =	sst s7  }
0x10: {  	[smem:$0x3FAA] =	sst s8  }
0x11: {  	[smem:$0x3FAB] =	sst s9;
	s0 =	simm.s32 @!p0 $0x0  }
0x12: {  	s1 =	sld [smem:$0x3F91];
	s0 =	simm.s32 @p0 $0x1  }
0x13: {  	[smem:$0x3FAC] =	sst s0;
	s0 =	simm.s32 @!p1 $0x0  }
0x14: {  	s2 =	sld [smem:$0x3F90];
	s0 =	simm.s32 @p1 $0x1  }
0x15: {  	[smem:$0x3FAD] =	sst s0;
	s0 =	simm.s32 @!p2 $0x0  }
0x16: {  	s3 =	sld [smem:$0x3FDB];
	s0 =	simm.s32 @p2 $0x1  }
0x17: {  	s4 =	simm.s32 $0x1BF5;
	[smem:$0x3FAF] =	sst s0  }
0x18: {  	s0 =	sld [smem:$0x3F92];
	_ =	swait.ge [sflag:s4], $0x0  }
0x19: {  	s7 =	sld [smem:$0x3F93]  }
0x1a: {  	s8 =	sadd.s32 $0xFFFFE003, lr  }
0x1b: {  	s9 =	sadd.s32 $0xFFFFFEF7, lr;
	s5 =	simm.s32 $0xFFFFFFFF;
	p2 =	slt.u32 s8, $0xFFFFF086  }
0x1c: {  	p1 =	slt.u32 s9, $0xF7A;
	s5 =	simm.s32 @!p2 $0x0  }
0x1d: {  	s5 =	simm.s32 @p1 $0x1;
	p0 =	seq.s32 s7, s2  }
0x1e: {  	s7 =	smul.u32 @!p0 $0xF7A, s2;
	p2 =	seq.s32 @!p0 s5, $0x0  }
0x1f: {  	s9 =	smul.u32 $0xF7A, s1;
	s8 =	simm.s32 @!p0 $0x1BF5;
	p2 =	por !p2, p0  }
0x20: {  	[sflag:s8] =	ssyncset.s32 @!p0 $0xFFFFF086;
	s6 =	sadd.s32 @!p0 s3, s7;
	s7 =	simm.s32 @!p0 $0x108  }
0x21: {  	s3 =	sadd.s32 s3, s9;
	s6 =	sadd.s32 @!p0 $0x88, s6;
	s7 =	simm.s32 @p2 $0x1082  }
0x22: {  	[simem:s7], [sflag:s8] =	dma.local @!p0 [hbm:s6], $0xF7A  }
0x23: {  	s9 =	sor.u32 $0xD0000000, s2;
	s6 =	simm.s32 $0x108;
	_ =	swait.ge @!p0 [sflag:s8], $0x0  }
0x24: {  	s3 =	sadd.s32 $0x88, s3;
	s6 =	simm.s32 @!p1 $0x1082;
	[sflag:s4] =	ssyncset.s32 $0xFFFFF086  }
0x25: {  	[simem:s6], [sflag:s4] =	dma.local [hbm:s3], $0xF7A  }
0x26: {  	[smem:$0x3F93] =	sst s1;
	(tag) =	ssettag s2;
	_ =	strace s9  }
0x27: {  	s1 =	sld [smem:$0x3FA3]  }
0x28: {  	s2 =	sld [smem:$0x3FA4]  }
0x29: {  	s4 =	sld [smem:$0x3FA6]  }
0x2a: {  	p0 =	seq.s32 s5, $0x0;
	s5 =	sld [smem:$0x3FA7]  }
0x2b: {  	s6 =	sld [smem:$0x3FA8]  }
0x2c: {  	s7 =	sld [smem:$0x3FA9]  }
0x2d: {  	s3 =	simm.s32 $0x108;
	s8 =	sld [smem:$0x3FAA]  }
0x2e: {  	s3 =	simm.s32 @!p0 $0x1082;
	s9 =	sld [smem:$0x3FAB]  }
0x2f: {  	lr =	sadd.s32 s0, s3;
	s0 =	sld [smem:$0x3FA2]  }
0x30: {  	s3 =	sld [smem:$0x3FA5]  }
0x31: {  	[smem:$0x3FAE] =	sst s10  }
0x32: {  	s10 =	sld [smem:$0x3FAC];
	_ =	sdelay $0x3  }
0x33: {  	p0 =	seq.s32 s10, $0x1;
	s10 =	sld [smem:$0x3FAE];
	_ =	sdelay $0x3  }
0x34: {  	[smem:$0x3FAE] =	sst s10  }
0x35: {  	s10 =	sld [smem:$0x3FAD];
	_ =	sdelay $0x3  }
0x36: {  	p1 =	seq.s32 s10, $0x1;
	s10 =	sld [smem:$0x3FAE];
	_ =	sdelay $0x3  }
0x37: {  	[smem:$0x3FAE] =	sst s10  }
0x38: {  	s10 =	sld [smem:$0x3FAF]  }
0x39: {  	_ = 	snop;
	(pc) =	sbr.ind lr, $3  }
0x3a: {  	_ = 	snop  }
0x3b: {  	_ = 	snop  }
0x3c: {  	p2 =	seq.s32 s10, $0x1;
	s10 =	sld [smem:$0x3FAE]  }
0x3d: {  	_ =	shalt  }
0x3e: {  	_ =	shalt  }
0x3f: {  	_ =	shalt  }
0x40: {  	_ =	shalt  }
0x41: {  	_ =	shalt  }
0x42: {  	_ =	shalt  }
0x43: {  	_ =	shalt  }
0x44: {  	_ =	shalt  }
0x45: {  	_ =	shalt  }
0x46: {  	_ =	shalt  }
0x47: {  	_ =	shalt  }
0x48: {  	_ =	shalt  }
0x49: {  	_ =	shalt  }
0x4a: {  	_ =	shalt  }
0x4b: {  	_ =	shalt  }
0x4c: {  	_ =	shalt  }
0x4d: {  	_ =	shalt  }
0x4e: {  	_ =	shalt  }
0x4f: {  	_ =	shalt  }
0x50: {  	_ =	shalt  }
0x51: {  	_ =	shalt  }
0x52: {  	_ =	shalt  }
0x53: {  	_ =	shalt  }
0x54: {  	_ =	shalt  }
0x55: {  	_ =	shalt  }
0x56: {  	_ =	shalt  }
0x57: {  	_ =	shalt  }
0x58: {  	_ =	shalt  }
0x59: {  	_ =	shalt  }
0x5a: {  	_ =	shalt  }
0x5b: {  	_ =	shalt  }
0x5c: {  	_ =	shalt  }
0x5d: {  	_ =	shalt  }
0x5e: {  	_ =	shalt  }
0x5f: {  	_ =	shalt  }
0x60: {  	_ =	shalt  }
0x61: {  	_ =	shalt  }
0x62: {  	_ =	shalt  }
0x63: {  	_ =	shalt  }
0x64: {  	_ =	shalt  }
0x65: {  	_ =	shalt  }
0x66: {  	_ =	shalt  }
0x67: {  	_ =	shalt  }
0x68: {  	_ =	shalt  }
0x69: {  	_ =	shalt  }
0x6a: {  	_ =	shalt  }
0x6b: {  	_ =	shalt  }
0x6c: {  	_ =	shalt  }
0x6d: {  	_ =	shalt  }
0x6e: {  	_ =	shalt  }
0x6f: {  	_ =	shalt  }
0x70: {  	_ =	shalt  }
0x71: {  	_ =	shalt  }
0x72: {  	_ =	shalt  }
0x73: {  	_ =	shalt  }
0x74: {  	_ =	shalt  }
0x75: {  	_ =	shalt  }
0x76: {  	_ =	shalt  }
0x77: {  	_ =	shalt  }
0x78: {  	_ =	shalt  }
0x79: {  	_ =	shalt  }
0x7a: {  	_ =	shalt  }
0x7b: {  	_ =	shalt  }
0x7c: {  	_ =	shalt  }
0x7d: {  	_ =	shalt  }
0x7e: {  	_ =	shalt  }
0x7f: {  	_ =	shalt  }
0x80: {  	_ =	shalt  }
0x81: {  	_ =	shalt  }
0x82: {  	_ =	shalt  }
0x83: {  	_ =	shalt  }
0x84: {  	_ =	shalt  }
0x85: {  	_ =	shalt  }
0x86: {  	_ =	shalt  }
0x87: {  	_ =	shalt  }
.Lfunc_end0:
.L_simem_size_0:
called_computation_lowered:
.L_overlay_start_0:
0x88: {  	s2 =	sld [smem:$0x3FD9]  }
0x89: {  	s3 =	sld [smem:$0x3FFE];
	_ =	sdelay $0x1  }
0x8a: {  	s1 =	srdreg.scid  }
0x8b: {  	s0 =	sand.u32 $0x1, s1  }
0x8c: {  	s17 =	sshll.u32 s0, $0xA;
	s2 =	sadd.s32 s3, s2  }
0x8d: {  	s2 =	sadd.s32 s2, s17  }
0x8e: {  	[smem:$0x3FBA] =	sst s2  }
0x8f: {  	_ = 	snop  }
0x90: {  	s2 =	sld [smem:$0x3FC9]  }
0x91: {  	s18 =	sld [smem:$0x3FD0];
	(tm) =	ssettm $0x1  }
0x92: {  	s4 =	sld [smem:$0x3FFB];
	_ =	sdelay $0x3  }
0x93: {  	_ =	strace s4  }
0x94: {  	s4 =	sld [smem:$0x3FFC];
	_ =	sdelay $0x3  }
0x95: {  	_ =	strace s4  }
0x96: {  	s4 =	sld [smem:$0x3FFD];
	_ =	sdelay $0x3  }
0x97: {  	_ =	strace s4  }
0x98: {  	_ =	strace $0x8FFFFFFF  }
0x99: {  	s19 =	sld [smem:$0x3FDB];
	_ =	sdelay $0x1  }
0x9a: {  	s5 =	simm.s32 $_scs_section_size  }
0x9b: {  	s6 =	simm.s32 $_size__tile_overlayer_lowered;
	s7 =	simm.s32 $_tile_overlayer_lowered  }
0x9c: {  	s22 =	simm.s32 $0x1BFF;
	s21 =	sshll.u32 s7, $0x1;
	s4 =	sadd.s32 s5, s19  }
0x9d: {  	s8 =	simm.s32 $0x0;
	s20 =	sshll.u32 s6, $0x1;
	s6 =	sadd.s32 s21, s4  }
0x9e: {  	[timem:s8], [sflag:s22] =	dma.local [hbm:s6], s20  }
0x9f: {  	_ =	swait.ge [sflag:s22], s20  }
0xa0: {  	s5 =	ssub.s32 $0x0, s20;
	[sflag:s22] =	ssyncset.done $0x0  }
0xa1: {  	[sflag:s22] =	ssyncadd.s32 s5;
	_ =	sdelay $0x1  }
0xa2: {  	s23 =	simm.s32 $0x1B8B  }
0xa3: {  	_ =	swait.ge [sflag:s23], $0x1  }
0xa4: {  	[sflag:s23] =	ssyncset.done $0x0  }
0xa5: {  	s25 =	simm.s32 $0x1B8E;
	s24 =	sld [smem:$0x3FFE];
	[sflag:s23] =	ssyncadd.s32 $0xFFFFFFFF  }
0xa6: {  	s26 =	simm.s32 $execute0_lowered;
	[smem:$0x3FD2] =	sst s25  }
0xa7: {  	s6 =	sshll.u32 s26, $0x1;
	_ =	strace $0x80000046;
	[dreg:$0x1] =	wrdreg $0xFFFFFFFF  }
0xa8: {  	s28 =	simm.s32 $_size_execute0_lowered;
	s4 =	sadd.s32 s4, s6;
	[dreg:$0x0] =	wrdreg $0x0  }
0xa9: {  	s6 =	sshll.u32 s28, $0x1;
	[dreg:$0x2] =	wrdreg s4  }
0xaa: {  	[dreg:$0x3] =	wrdreg s6  }
0xab: {  	[dreg:$0x4] =	wrdreg $0xC0  }
0xac: {  	_ =	task [dreg:s8], $0x5FFFF  }
0xad: {  	[dreg:$0x1] =	wrdreg $0xFFFFFFFF  }
0xae: {  	[dreg:$0x0] =	wrdreg $0x60  }
0xaf: {  	[dreg:$0x2] =	wrdreg s2  }
0xb0: {  	[dreg:$0x3] =	wrdreg s24  }
0xb1: {  	[dreg:$0x4] =	wrdreg s18  }
0xb2: {  	[dreg:$0x5] =	wrdreg $0xA8000  }
0xb3: {  	[dreg:$0x6] =	wrdreg $0x9  }
0xb4: {  	_ =	task.clear_ibuf [dreg:s8], $0x7FFFF;
	_ =	strace $0x90000046  }
0xb5: {  	s29 =	simm.s32 $0x9;
	_ =	strace $0x80000048  }
0xb6: {  	_ =	swait.ge [sflag:s29], $0x1  }
0xb7: {  	[sflag:s29] =	ssyncadd.s32 $0xFFFFFFFF  }
0xb8: {  	_ =	strace $0x90000048  }
0xb9: {  	_ =	sfence  }
0xba: {  	s30 =	sld [smem:$0x0];
	_ =	sdelay $0x2  }
0xbb: {  	s31 =	sshll.u32 s1, $0xD;
	s1 =	sshrl.u32 s1, $0x2  }
0xbc: {  	s3 =	sand.u32 $0x4000, s31;
	s1 =	sadd.s32 s1, s30  }
0xbd: {  	s0 =	sor.u32 s3, s0;
	s1 =	sshll.u32 s1, $0x11  }
0xbe: {  	s0 =	sor.u32 s1, s0  }
0xbf: {  	s0 =	sadd.s32 $0x8F2B, s0  }
0xc0: {  	[sflag:s0] =	ssyncadd.remote.s32 $0x1  }
0xc1: {  	_ =	sfence.sel $0xFFFF  }
0xc2: {  	[dreg:$0x0] =	wrdreg $0xFFFFFFFF;
	(pc) =	sbr.abs _section_cstart, $3  }
0xc3: {  	[dreg:$0x1] =	wrdreg $0xFFFFFFFF  }
0xc4: {  	_ =	task.clear_ibuf [dreg:s8], $0x2FFFF;
	_ =	strace $0x9FFFFFFF  }
0xc5: {  	(tm) =	ssettm $0x7FFFFFFF  }
tec
execute0_lowered:
.L_overlay_start_1:
0x0: {  	(tag) =	ssettag $0x1  }
0x1: {  	s1 =	rddreg [dreg:$0x0]  }
0x2: {  	s10 =	rddreg [dreg:$0x1]  }
0x3: {  	s11 =	rddreg [dreg:$0x2]  }
0x4: {  	s2 =	rddreg [dreg:$0x3]  }
0x5: {  	s0 =	rddreg [dreg:$0x4];
	s3 =	simm.s32 $0x0  }
0x6: {  	s4 =	srdreg.scid;
	s16 =	simm.s32 $0x38600;
	s17 =	simm.s32 $0x2800  }
0x7: {  	s18 =	simm.s32 $0x6800;
	s19 =	simm.s32 $0x1;
	s20 =	simm.s32 $0x2  }
0x8: {  	s21 =	simm.s32 $0x1380;
	s22 =	simm.s32 $0x2700;
	s23 =	simm.s32 $0x2780  }
0x9: {  	s24 =	simm.s32 $0x0;
	[smem:$0x7FF] =	sst s3;
	s7 =	sand.u32 $0x1, s4  }
0xa: {  	s4 =	stileid.u32;
	s12 =	sadd.s32 $0x3E00, s10;
	s5 =	sadd.s32 $0xDE00, s10  }
0xb: {  	_ =	strace $0x80000047;
	s6 =	ssub.s32 $0x2, s7;
	s9 =	smul.u32 $0x50000, s4  }
0xc: {  	s29 =	sshll.u32 s7, $0x4;
	s31 =	sshll.u32 s4, $0x6;
	p0 =	seq.s32 s7, $0x1  }
0xd: {  	s15 =	smul.u32 $0x2800, s4;
	s8 =	sshrl.u32 s6, $0x1;
	s13 =	sor.u32 s4, s29  }
0xe: {  	s16 =	simm.s32 @!p0 $0x10600;
	s8 =	ssub.s32 s6, s8;
	s13 =	smul.u32 $0x500, s13  }
0xf: {  	s30 =	sshrl.u32 s9, $0x2;
	s6 =	sor.u32 $0x1C03, s31;
	s7 =	smax.u32 s8, $0x1  }
0x10: {  	s8 =	sadd.s32 s12, s13;
	s9 =	sadd.s32 s11, s13;
	s13 =	sadd.s32 $0x280, s13  }
0x11: {  	s16 =	sadd.s32 s16, s10;
	s14 =	sadd.s32 s30, s2;
	s10 =	sadd.s32 s12, s13  }
0x12: {  	s11 =	sadd.s32 s11, s13;
	s12 =	sadd.s32 s16, s15;
	s13 =	sshrl.u32 s14, $0x3  }
0x13: {  	s14 =	simm.s32 $0x3;
	s15 =	simm.s32 $0x1400;
	s16 =	simm.s32 $0x80  }
.LBB2_1:
0x14: {  	[spmem:s13], [sflag:s6] =	dma.local [hbm:s5], $0x2800  }
0x15: {  	_ =	swait.ge [sflag:s14], $0x2800  }
0x16: {  	[sflag:s14] =	ssyncset.done $0x0  }
0x17: {  	[sflag:s14] =	ssyncadd.s32 $0xFFFFD800  }
0x18: {  	[bflag:$0x0] =	sbarrier.arrive $0xFFFF  }
0x19: {  	[tilespmem:s3], [sflag:$0x3] =	stream.linear.gather [hbm4b:s8+s3], $0x1400, $0x38;
	[tilespmem:$0x1E800] =	vst v63  }
0x1a: {  	_ =	swait.ge [sflag:s14], $0x1400  }
0x1b: {  	[sflag:s14] =	ssyncset.done $0x0  }
0x1c: {  	[sflag:s14] =	ssyncadd.s32 $0xFFFFEC00  }
0x1d: {  	[tilespmem:s15], [sflag:$0x3] =	stream.linear.gather [hbm4b:s9+s3], $0x1400, $0x38;
	[tilespmem:$0x1E800] =	vst v63  }
0x1e: {  	_ =	swait.ge [sflag:s14], $0x1400  }
0x1f: {  	[sflag:s14] =	ssyncset.done $0x0  }
0x20: {  	[sflag:s14] =	ssyncadd.s32 $0xFFFFEC00  }
0x21: {  	[tilespmem:s17], [sflag:$0x1] =	stream.indirect.gather [hbm4b:s1+s16], $0x80, s3, s16, $0xb8;
	[tilespmem:$0x1E800] =	vst v63  }
0x22: {  	s25 =	simm.s32 $0x80  }
0x23: {  	[tilespmem:s18], [sflag:$0x2] =	stream.indirect.gather [hbm4b:s1+s16], $0x80, s25, s16, $0xb8;
	[tilespmem:$0x1E800] =	vst v63  }
0x24: {  	_ =	swait.ge [sflag:s19], $0x4000  }
0x25: {  	[sflag:s19] =	ssyncset.done $0x0  }
0x26: {  	s29 =	simm.s32 $0x1400;
	[sflag:s19] =	ssyncadd.s32 $0xFFFFC000  }
0x27: {  	[spmem:s2] =	stream.indirect.scatter.add.f32 [tilespmem:s17], [sflag:$0x3], $0x80, s29, s16, $0xb8;
	[tilespmem:$0x1E800] =	vst v63  }
0x28: {  	_ =	swait.ge [sflag:s14], $0x4000  }
0x29: {  	[sflag:s14] =	ssyncset.done $0x0  }
0x2a: {  	s30 =	simm.s32 $0x100;
	[sflag:s14] =	ssyncadd.s32 $0xFFFFC000  }
0x2b: {  	[tilespmem:s17], [sflag:$0x1] =	stream.indirect.gather [hbm4b:s1+s16], $0x80, s30, s16, $0xb8;
	[tilespmem:$0x1E800] =	vst v63  }
0x2c: {  	_ =	swait.ge [sflag:s20], $0x4000  }
0x2d: {  	[sflag:s20] =	ssyncset.done $0x0  }
0x2e: {  	s31 =	simm.s32 $0x1480;
	[sflag:s20] =	ssyncadd.s32 $0xFFFFC000  }
0x2f: {  	[spmem:s2] =	stream.indirect.scatter.add.f32 [tilespmem:s18], [sflag:$0x3], $0x80, s31, s16, $0xb8;
	[tilespmem:$0x1E800] =	vst v63  }
0x30: {  	_ =	swait.ge [sflag:s14], $0x4000  }
0x31: {  	s26 =	simm.s32 $0x800;
	s25 =	simm.s32 $0x100;
	[sflag:s14] =	ssyncset.done $0x0  }
.LBB2_2:
0x32: {  	s28 =	sadd.s32 $0x80, s25  }
0x33: {  	[sflag:s14] =	ssyncadd.s32 $0xFFFFC000;
	s29 =	smov.u32 s26;
	s30 =	sadd.s32 $0x400, s26  }
0x34: {  	[tilespmem:s18], [sflag:$0x2] =	stream.indirect.gather [hbm4b:s1+s16], $0x80, s28, s16, $0xb8;
	[tilespmem:$0x1E800] =	vst v63  }
0x35: {  	p0 =	sne.s32 s26, $0x4800;
	_ =	swait.ge [sflag:s19], $0x4000  }
0x36: {  	[sflag:s19] =	ssyncset.done $0x0  }
0x37: {  	s26 =	sadd.s32 $0x1400, s25;
	[sflag:s19] =	ssyncadd.s32 $0xFFFFC000  }
0x38: {  	[spmem:s2] =	stream.indirect.scatter.add.f32 [tilespmem:s17], [sflag:$0x3], $0x80, s26, s16, $0xb8;
	[tilespmem:$0x1E800] =	vst v63  }
0x39: {  	_ =	swait.ge [sflag:s14], $0x4000  }
0x3a: {  	[sflag:s14] =	ssyncset.done $0x0  }
0x3b: {  	s26 =	sadd.s32 $0x100, s25;
	[sflag:s14] =	ssyncadd.s32 $0xFFFFC000  }
0x3c: {  	[tilespmem:s17], [sflag:$0x1] =	stream.indirect.gather [hbm4b:s1+s16], $0x80, s26, s16, $0xb8;
	[tilespmem:$0x1E800] =	vst v63  }
0x3d: {  	_ =	swait.ge [sflag:s20], $0x4000  }
.Ltmp0:
0x3e: {  	[sflag:s20] =	ssyncset.done $0x0;
	(pc) =	sbr.rel @p0 .LBB2_2-.Ltmp0, $4  }
0x3f: {  	s25 =	sadd.s32 $0x1480, s25;
	[sflag:s20] =	ssyncadd.s32 $0xFFFFC000  }
0x40: {  	[spmem:s2] =	stream.indirect.scatter.add.f32 [tilespmem:s18], [sflag:$0x3], $0x80, s25, s16, $0xb8;
	[tilespmem:$0x1E800] =	vst v63  }
0x41: {  	_ =	swait.ge [sflag:s14], $0x4000  }
0x42: {  	s26 =	smov.u32 s30;
	s25 =	sshra.s32 s29, $0x2;
	[sflag:s14] =	ssyncset.done $0x0  }
0x43: {  	s26 =	sadd.s32 $0x80, s25;
	[sflag:s14] =	ssyncadd.s32 $0xFFFFC000  }
0x44: {  	[tilespmem:s18], [sflag:$0x2] =	stream.indirect.gather [hbm4b:s1+s16], $0x80, s26, s16, $0xb8;
	[tilespmem:$0x1E800] =	vst v63  }
0x45: {  	_ =	swait.ge [sflag:s19], $0x4000  }
0x46: {  	[sflag:s19] =	ssyncset.done $0x0  }
0x47: {  	s29 =	sadd.s32 $0x1400, s25;
	[sflag:s19] =	ssyncadd.s32 $0xFFFFC000  }
0x48: {  	[spmem:s2] =	stream.indirect.scatter.add.f32 [tilespmem:s17], [sflag:$0x3], $0x80, s29, s16, $0xb8;
	[tilespmem:$0x1E800] =	vst v63  }
0x49: {  	_ =	swait.ge [sflag:s14], $0x4000  }
0x4a: {  	[sflag:s14] =	ssyncset.done $0x0  }
0x4b: {  	s30 =	sadd.s32 $0x100, s25;
	[sflag:s14] =	ssyncadd.s32 $0xFFFFC000  }
0x4c: {  	[tilespmem:s17], [sflag:$0x1] =	stream.indirect.gather [hbm4b:s1+s16], $0x80, s30, s16, $0xb8;
	[tilespmem:$0x1E800] =	vst v63  }
0x4d: {  	_ =	swait.ge [sflag:s20], $0x4000  }
0x4e: {  	[sflag:s20] =	ssyncset.done $0x0  }
0x4f: {  	s31 =	sadd.s32 $0x1480, s25;
	[sflag:s20] =	ssyncadd.s32 $0xFFFFC000  }
0x50: {  	[spmem:s2] =	stream.indirect.scatter.add.f32 [tilespmem:s18], [sflag:$0x3], $0x80, s31, s16, $0xb8;
	[tilespmem:$0x1E800] =	vst v63  }
0x51: {  	_ =	swait.ge [sflag:s14], $0x4000  }
0x52: {  	[sflag:s14] =	ssyncset.done $0x0  }
0x53: {  	[sflag:s14] =	ssyncadd.s32 $0xFFFFC000  }
0x54: {  	[tilespmem:s18], [sflag:$0x2] =	stream.indirect.gather [hbm4b:s1+s16], $0x80, s21, s16, $0xb8;
	[tilespmem:$0x1E800] =	vst v63  }
0x55: {  	_ =	swait.ge [sflag:s19], $0x4000  }
0x56: {  	[sflag:s19] =	ssyncset.done $0x0  }
0x57: {  	[sflag:s19] =	ssyncadd.s32 $0xFFFFC000  }
0x58: {  	[spmem:s2] =	stream.indirect.scatter.add.f32 [tilespmem:s17], [sflag:$0x3], $0x80, s22, s16, $0xb8;
	[tilespmem:$0x1E800] =	vst v63  }
0x59: {  	_ =	swait.ge [sflag:s14], $0x4000  }
0x5a: {  	[sflag:s14] =	ssyncset.done $0x0  }
0x5b: {  	[sflag:s14] =	ssyncadd.s32 $0xFFFFC000  }
0x5c: {  	_ =	swait.ge [sflag:s20], $0x4000  }
0x5d: {  	[sflag:s20] =	ssyncset.done $0x0  }
0x5e: {  	[sflag:s20] =	ssyncadd.s32 $0xFFFFC000  }
0x5f: {  	[spmem:s2] =	stream.indirect.scatter.add.f32 [tilespmem:s18], [sflag:$0x3], $0x80, s23, s16, $0xb8;
	[tilespmem:$0x1E800] =	vst v63  }
0x60: {  	_ =	swait.ge [sflag:s14], $0x4000  }
0x61: {  	[sflag:s14] =	ssyncset.done $0x0  }
0x62: {  	s26 =	simm.s32 $0x0;
	[sflag:s14] =	ssyncadd.s32 $0xFFFFC000  }
0x63: {  	[tilespmem:s26], [sflag:$0x3] =	stream.linear.gather [hbm4b:s10+s26], $0x1400, $0x38;
	[tilespmem:$0x1E800] =	vst v63  }
0x64: {  	_ =	swait.ge [sflag:s14], $0x1400  }
0x65: {  	[sflag:s14] =	ssyncset.done $0x0  }
0x66: {  	[sflag:s14] =	ssyncadd.s32 $0xFFFFEC00  }
0x67: {  	[tilespmem:s15], [sflag:$0x3] =	stream.linear.gather [hbm4b:s11+s26], $0x1400, $0x38;
	[tilespmem:$0x1E800] =	vst v63  }
0x68: {  	_ =	swait.ge [sflag:s14], $0x1400  }
0x69: {  	[sflag:s14] =	ssyncset.done $0x0  }
0x6a: {  	[sflag:s14] =	ssyncadd.s32 $0xFFFFEC00  }
0x6b: {  	[tilespmem:s17], [sflag:$0x1] =	stream.indirect.gather [hbm4b:s1+s16], $0x80, s26, s16, $0xb8;
	[tilespmem:$0x1E800] =	vst v63  }
0x6c: {  	s28 =	simm.s32 $0x80  }
0x6d: {  	[tilespmem:s18], [sflag:$0x2] =	stream.indirect.gather [hbm4b:s1+s16], $0x80, s28, s16, $0xb8;
	[tilespmem:$0x1E800] =	vst v63  }
0x6e: {  	_ =	swait.ge [sflag:s19], $0x4000  }
0x6f: {  	[sflag:s19] =	ssyncset.done $0x0  }
0x70: {  	s29 =	simm.s32 $0x1400;
	[sflag:s19] =	ssyncadd.s32 $0xFFFFC000  }
0x71: {  	[spmem:s2] =	stream.indirect.scatter.add.f32 [tilespmem:s17], [sflag:$0x3], $0x80, s29, s16, $0xb8;
	[tilespmem:$0x1E800] =	vst v63  }
0x72: {  	_ =	swait.ge [sflag:s14], $0x4000  }
0x73: {  	[sflag:s14] =	ssyncset.done $0x0  }
0x74: {  	s30 =	simm.s32 $0x100;
	[sflag:s14] =	ssyncadd.s32 $0xFFFFC000  }
0x75: {  	[tilespmem:s17], [sflag:$0x1] =	stream.indirect.gather [hbm4b:s1+s16], $0x80, s30, s16, $0xb8;
	[tilespmem:$0x1E800] =	vst v63  }
0x76: {  	_ =	swait.ge [sflag:s20], $0x4000  }
0x77: {  	[sflag:s20] =	ssyncset.done $0x0  }
0x78: {  	s31 =	simm.s32 $0x1480;
	[sflag:s20] =	ssyncadd.s32 $0xFFFFC000  }
0x79: {  	[spmem:s2] =	stream.indirect.scatter.add.f32 [tilespmem:s18], [sflag:$0x3], $0x80, s31, s16, $0xb8;
	[tilespmem:$0x1E800] =	vst v63  }
0x7a: {  	_ =	swait.ge [sflag:s14], $0x4000  }
0x7b: {  	s25 =	simm.s32 $0x100;
	s26 =	simm.s32 $0x800;
	[sflag:s14] =	ssyncset.done $0x0  }
.LBB2_4:
0x7c: {  	s28 =	sadd.s32 $0x80, s25  }
0x7d: {  	[sflag:s14] =	ssyncadd.s32 $0xFFFFC000;
	s29 =	smov.u32 s26;
	s30 =	sadd.s32 $0x400, s26  }
0x7e: {  	[tilespmem:s18], [sflag:$0x2] =	stream.indirect.gather [hbm4b:s1+s16], $0x80, s28, s16, $0xb8;
	[tilespmem:$0x1E800] =	vst v63  }
0x7f: {  	p0 =	sne.s32 s26, $0x4800;
	_ =	swait.ge [sflag:s19], $0x4000  }
0x80: {  	[sflag:s19] =	ssyncset.done $0x0  }
0x81: {  	s26 =	sadd.s32 $0x1400, s25;
	[sflag:s19] =	ssyncadd.s32 $0xFFFFC000  }
0x82: {  	[spmem:s2] =	stream.indirect.scatter.add.f32 [tilespmem:s17], [sflag:$0x3], $0x80, s26, s16, $0xb8;
	[tilespmem:$0x1E800] =	vst v63  }
0x83: {  	_ =	swait.ge [sflag:s14], $0x4000  }
0x84: {  	[sflag:s14] =	ssyncset.done $0x0  }
0x85: {  	s26 =	sadd.s32 $0x100, s25;
	[sflag:s14] =	ssyncadd.s32 $0xFFFFC000  }
0x86: {  	[tilespmem:s17], [sflag:$0x1] =	stream.indirect.gather [hbm4b:s1+s16], $0x80, s26, s16, $0xb8;
	[tilespmem:$0x1E800] =	vst v63  }
0x87: {  	_ =	swait.ge [sflag:s20], $0x4000  }
.Ltmp1:
0x88: {  	[sflag:s20] =	ssyncset.done $0x0;
	(pc) =	sbr.rel @p0 .LBB2_4-.Ltmp1, $4  }
0x89: {  	s25 =	sadd.s32 $0x1480, s25;
	[sflag:s20] =	ssyncadd.s32 $0xFFFFC000  }
0x8a: {  	[spmem:s2] =	stream.indirect.scatter.add.f32 [tilespmem:s18], [sflag:$0x3], $0x80, s25, s16, $0xb8;
	[tilespmem:$0x1E800] =	vst v63  }
0x8b: {  	_ =	swait.ge [sflag:s14], $0x4000  }
0x8c: {  	s26 =	smov.u32 s30;
	s25 =	sshra.s32 s29, $0x2;
	[sflag:s14] =	ssyncset.done $0x0  }
0x8d: {  	s26 =	sadd.s32 $0x80, s25;
	[sflag:s14] =	ssyncadd.s32 $0xFFFFC000  }
0x8e: {  	[tilespmem:s18], [sflag:$0x2] =	stream.indirect.gather [hbm4b:s1+s16], $0x80, s26, s16, $0xb8;
	[tilespmem:$0x1E800] =	vst v63  }
0x8f: {  	_ =	swait.ge [sflag:s19], $0x4000  }
0x90: {  	[sflag:s19] =	ssyncset.done $0x0  }
0x91: {  	s29 =	sadd.s32 $0x1400, s25;
	[sflag:s19] =	ssyncadd.s32 $0xFFFFC000  }
0x92: {  	[spmem:s2] =	stream.indirect.scatter.add.f32 [tilespmem:s17], [sflag:$0x3], $0x80, s29, s16, $0xb8;
	[tilespmem:$0x1E800] =	vst v63  }
0x93: {  	_ =	swait.ge [sflag:s14], $0x4000  }
0x94: {  	[sflag:s14] =	ssyncset.done $0x0  }
0x95: {  	s30 =	sadd.s32 $0x100, s25;
	[sflag:s14] =	ssyncadd.s32 $0xFFFFC000  }
0x96: {  	[tilespmem:s17], [sflag:$0x1] =	stream.indirect.gather [hbm4b:s1+s16], $0x80, s30, s16, $0xb8;
	[tilespmem:$0x1E800] =	vst v63  }
0x97: {  	_ =	swait.ge [sflag:s20], $0x4000  }
0x98: {  	[sflag:s20] =	ssyncset.done $0x0  }
0x99: {  	s31 =	sadd.s32 $0x1480, s25;
	[sflag:s20] =	ssyncadd.s32 $0xFFFFC000  }
0x9a: {  	[spmem:s2] =	stream.indirect.scatter.add.f32 [tilespmem:s18], [sflag:$0x3], $0x80, s31, s16, $0xb8;
	[tilespmem:$0x1E800] =	vst v63  }
0x9b: {  	_ =	swait.ge [sflag:s14], $0x4000  }
0x9c: {  	[sflag:s14] =	ssyncset.done $0x0  }
0x9d: {  	[sflag:s14] =	ssyncadd.s32 $0xFFFFC000  }
0x9e: {  	[tilespmem:s18], [sflag:$0x2] =	stream.indirect.gather [hbm4b:s1+s16], $0x80, s21, s16, $0xb8;
	[tilespmem:$0x1E800] =	vst v63  }
0x9f: {  	_ =	swait.ge [sflag:s19], $0x4000  }
0xa0: {  	[sflag:s19] =	ssyncset.done $0x0  }
0xa1: {  	[sflag:s19] =	ssyncadd.s32 $0xFFFFC000  }
0xa2: {  	[spmem:s2] =	stream.indirect.scatter.add.f32 [tilespmem:s17], [sflag:$0x3], $0x80, s22, s16, $0xb8;
	[tilespmem:$0x1E800] =	vst v63  }
0xa3: {  	_ =	swait.ge [sflag:s14], $0x4000  }
0xa4: {  	[sflag:s14] =	ssyncset.done $0x0  }
0xa5: {  	[sflag:s14] =	ssyncadd.s32 $0xFFFFC000  }
0xa6: {  	_ =	swait.ge [sflag:s20], $0x4000  }
0xa7: {  	[sflag:s20] =	ssyncset.done $0x0  }
0xa8: {  	[sflag:s20] =	ssyncadd.s32 $0xFFFFC000  }
0xa9: {  	[spmem:s2] =	stream.indirect.scatter.add.f32 [tilespmem:s18], [sflag:$0x3], $0x80, s23, s16, $0xb8;
	[tilespmem:$0x1E800] =	vst v63  }
0xaa: {  	_ =	swait.ge [sflag:s14], $0x4000  }
0xab: {  	s24 =	sadd.s32 $0x1, s24;
	[sflag:s14] =	ssyncset.done $0x0  }
0xac: {  	p0 =	sne.s32 s24, s7;
	[sflag:s14] =	ssyncadd.s32 $0xFFFFC000  }
.Ltmp2:
0xad: {  	[bflag:$0x0] =	sbarrier.arrive $0xFFFF;
	(pc) =	sbr.rel @p0 .LBB2_1-.Ltmp2, $4  }
0xae: {  	[hbm:s12], [sflag:s6] =	dma.local [spmem:s13], $0x2800  }
0xaf: {  	_ =	swait.ge [sflag:s14], $0x2800  }
0xb0: {  	[sflag:s14] =	ssyncset.done $0x0  }
0xb1: {  	[sflag:s14] =	ssyncadd.s32 $0xFFFFD800  }
0xb2: {  	_ =	sfence.sel $0x180000  }
0xb3: {  	[bflag:$0x0] =	sbarrier.arrive $0xFFFF  }
0xb4: {  	p0 =	sne.s32 s4, $0x0;
	_ =	strace $0x90000047  }
0xb5: {  	s0 =	sadd.s32 @!p0 $0x100000, s0;
	[bflag:$0x2] =	sbarrier.arrive $0xFFFF  }
0xb6: {  	[sflag:s0] =	ssyncadd.tile.s32 @!p0 $0x1;
	_ =	shalt  }
.Lfunc_end2:
_tile_overlayer_lowered:
.L_overlay_start_2:
0xb7: {  	(tag) =	ssettag $0x2  }
0xb8: {  	s0 =	rddreg [dreg:$0x0];
	s2 =	stileid.u32  }
0xb9: {  	s1 =	rddreg [dreg:$0x1];
	p0 =	sne.s32 s2, $0x0  }
0xba: {  	s3 =	rddreg [dreg:$0x2];
	[bflag:$0x3] =	sbarrier.arrive $0xFFFF;
	s2 =	simm.s32 @!p0 $0x1C03  }
0xbb: {  	[timem:s3], [sflag:s2] =	dma.local @!p0 [hbm:s0], s1  }
0xbc: {  	s0 =	simm.s32 @!p0 $0x3  }
0xbd: {  	_ =	swait.ge @!p0 [sflag:s0], s1  }
0xbe: {  	s1 =	ssub.s32 @!p0 $0x0, s1;
	[sflag:s0] =	ssyncset.done @!p0 $0x0  }
0xbf: {  	[sflag:s0] =	ssyncadd.s32 @!p0 s1  }
0xc0: {  	[bflag:$0x3] =	sbarrier.arrive $0xFFFF  }
0xc1: {  	_ =	shalt  }

</sc_bundles>
